<compile_context>
chip_gen: v7x
topology: tpu7x:2x2x1
jax: 0.10.2.dev20260603
libtpu: 0.0.44.dev20260713+nightly
codegen_flags: <defaults>
</compile_context>

<pallas_src>
import jax
import jax.numpy as jnp
from jax import lax
from jax.experimental import pallas as pl
from jax.experimental.pallas import tpu as pltpu
from jax.experimental.pallas import tpu_sc as plsc

_B = 8
_N = 8400
_MAX_DET = 150
_SCORE_THR = 0.2
_IOU_THR = 0.7
_L = 16
_NPAD = 8448
_SLICE = 2112
_NCHUNK = _SLICE // _L
_OUT_PAD = 768

_F_VAL, _F_IDX, _F_X1, _F_Y1, _F_X2, _F_Y2, _F_AREA = (i * _L for i in range(7))
_PUB = 128


def _nms_body(boxes_hbm, scores_hbm, out_hbm,
              sv, x1v, y1v, x2v, y2v, areav, pubv, rdv, outv, shared):
    c = lax.axis_index("c")
    s_ax = lax.axis_index("s")
    b = c * 4 + s_ax // 4
    slot = s_ax % 4
    base = slot * _SLICE

    pltpu.sync_copy(scores_hbm.at[b, pl.ds(base, _SLICE)], sv)
    pltpu.sync_copy(boxes_hbm.at[4 * b + 0, pl.ds(base, _SLICE)], x1v)
    pltpu.sync_copy(boxes_hbm.at[4 * b + 1, pl.ds(base, _SLICE)], y1v)
    pltpu.sync_copy(boxes_hbm.at[4 * b + 2, pl.ds(base, _SLICE)], x2v)
    pltpu.sync_copy(boxes_hbm.at[4 * b + 3, pl.ds(base, _SLICE)], y2v)

    lanes = lax.iota(jnp.int32, 16)
    neg_inf = jnp.float32(-jnp.inf)
    ninf_v = jnp.full((16,), neg_inf, jnp.float32)
    zero_i = jnp.zeros((16,), jnp.int32)

    gather_dnums = lax.GatherDimensionNumbers(
        offset_dims=(), collapsed_slice_dims=(0,), start_index_map=(0,)
    )

    def xlane(v, idx):
        return lax.gather(
            v, idx[:, None], gather_dnums, slice_sizes=(1,),
            mode=lax.GatherScatterMode.PROMISE_IN_BOUNDS,
        )

    def pass0(i, carry):
        bval, bidx = carry
        sl = pl.ds(i * _L, _L)
        cx = x1v[sl]
        cy = y1v[sl]
        w = x2v[sl]
        h = y2v[sl]
        x1 = cx - w * 0.5
        y1 = cy - h * 0.5
        x2 = cx + w * 0.5
        y2 = cy + h * 0.5
        x1v[sl] = x1
        y1v[sl] = y1
        x2v[sl] = x2
        y2v[sl] = y2
        areav[sl] = jnp.maximum(x2 - x1, 0.0) * jnp.maximum(y2 - y1, 0.0)
        s = sv[sl]
        s = jnp.where(s > _SCORE_THR, s, neg_inf)
        sv[sl] = s
        idxs = base + i * _L + lanes
        upd = s > bval
        return jnp.where(upd, s, bval), jnp.where(upd, idxs, bidx)

    carry0 = plsc.parallel_loop(0, _NCHUNK, 1, unroll=6,
                                carry=(ninf_v, zero_i))(pass0)

    def step(t, carry):
        bval, bidx = carry
        lmax = bval
        for sh in (8, 4, 2, 1):
            lmax = jnp.maximum(lmax, xlane(lmax, lanes ^ sh))
        cand = jnp.where(bval == lmax, bidx, jnp.int32(2**31 - 1))
        lidx = cand
        for sh in (8, 4, 2, 1):
            lidx = jnp.minimum(lidx, xlane(lidx, lanes ^ sh))
        loff = jnp.clip(lidx - base, 0, _SLICE - 1)
        lx1 = plsc.load_gather(x1v, [loff])
        ly1 = plsc.load_gather(y1v, [loff])
        lx2 = plsc.load_gather(x2v, [loff])
        ly2 = plsc.load_gather(y2v, [loff])
        lar = plsc.load_gather(areav, [loff])

        pubv[pl.ds(_F_VAL, _L)] = lmax
        pubv[pl.ds(_F_IDX, _L)] = plsc.bitcast(lidx, jnp.float32)
        pubv[pl.ds(_F_X1, _L)] = lx1
        pubv[pl.ds(_F_Y1, _L)] = ly1
        pubv[pl.ds(_F_X2, _L)] = lx2
        pubv[pl.ds(_F_Y2, _L)] = ly2
        pubv[pl.ds(_F_AREA, _L)] = lar
        buf = (t % 2) * 16
        pltpu.sync_copy(pubv, shared.at[buf + s_ax])
        plsc.subcore_barrier()
        pltpu.sync_copy(shared.at[pl.ds(buf + 4 * (s_ax // 4), 4)], rdv)

        def cand_r(r):
            return (rdv[r, pl.ds(_F_VAL, _L)],
                    plsc.bitcast(rdv[r, pl.ds(_F_IDX, _L)], jnp.int32),
                    rdv[r, pl.ds(_F_X1, _L)],
                    rdv[r, pl.ds(_F_Y1, _L)],
                    rdv[r, pl.ds(_F_X2, _L)],
                    rdv[r, pl.ds(_F_Y2, _L)],
                    rdv[r, pl.ds(_F_AREA, _L)])

        def merge(a, bb):
            better = (a[0] > bb[0]) | ((a[0] == bb[0]) & (a[1] < bb[1]))
            return tuple(jnp.where(better, fa, fb) for fa, fb in zip(a, bb))

        w01 = merge(cand_r(0), cand_r(1))
        w23 = merge(cand_r(2), cand_r(3))
        wval, widx, wx1, wy1, wx2, wy2, warea = merge(w01, w23)

        @pl.when(slot == 0)
        def _():
            kept = wval > ninf_v
            vals = jnp.where(lanes == 0, wx1,
                   jnp.where(lanes == 1, wy1,
                   jnp.where(lanes == 2, wx2,
                   jnp.where(lanes == 3, wy2, wval))))
            vals = jnp.where(kept, vals, jnp.float32(0.0))
            plsc.store_scatter(outv, [t * 5 + lanes], vals, mask=lanes < 5)

        wloc = widx - base
        clr_mask = (lanes == 0) & (wloc >= 0) & (wloc < _SLICE)
        wloc_cl = jnp.clip(wloc, 0, _SLICE - 1)
        plsc.store_scatter(sv, [wloc_cl], ninf_v, mask=clr_mask)

        def supp(i, carry2):
            bval2, bidx2 = carry2
            sl = pl.ds(i * _L, _L)
            ix1 = jnp.maximum(wx1, x1v[sl])
            iy1 = jnp.maximum(wy1, y1v[sl])
            ix2 = jnp.minimum(wx2, x2v[sl])
            iy2 = jnp.minimum(wy2, y2v[sl])
            inter = jnp.maximum(ix2 - ix1, 0.0) * jnp.maximum(iy2 - iy1, 0.0)
            iou = inter / (warea + areav[sl] - inter + 1e-9)
            s = sv[sl]
            s = jnp.where(iou > _IOU_THR, neg_inf, s)
            sv[sl] = s
            idxs = base + i * _L + lanes
            upd = s > bval2
            return jnp.where(upd, s, bval2), jnp.where(upd, idxs, bidx2)

        return plsc.parallel_loop(0, _NCHUNK, 1, unroll=6,
                                  carry=(ninf_v, zero_i))(supp)

    lax.fori_loop(0, _MAX_DET, step, carry0)

    @pl.when(slot == 0)
    def _():
        pltpu.sync_copy(outv, out_hbm.at[b])


@jax.jit
def _nms_sc(boxes_t, scores):
    mesh = plsc.VectorSubcoreMesh(
        core_axis_name="c", subcore_axis_name="s", num_cores=2, num_subcores=16
    )
    f = pl.kernel(
        _nms_body,
        out_type=jax.ShapeDtypeStruct((_B, _OUT_PAD), jnp.float32),
        mesh=mesh,
        compiler_params=pltpu.CompilerParams(
            needs_layout_passes=False, use_tc_tiling_on_sc=False
        ),
        scratch_types=[
            pltpu.VMEM((_SLICE,), jnp.float32),
            pltpu.VMEM((_SLICE,), jnp.float32),
            pltpu.VMEM((_SLICE,), jnp.float32),
            pltpu.VMEM((_SLICE,), jnp.float32),
            pltpu.VMEM((_SLICE,), jnp.float32),
            pltpu.VMEM((_SLICE,), jnp.float32),
            pltpu.VMEM((_PUB,), jnp.float32),
            pltpu.VMEM((4, _PUB), jnp.float32),
            pltpu.VMEM((_OUT_PAD,), jnp.float32),
            pltpu.VMEM_SHARED((32, _PUB), jnp.float32),
        ],
    )
    return f(boxes_t, scores)


def kernel(boxes, scores):
    boxes_t = boxes.transpose(0, 2, 1).reshape(_B * 4, _N)
    boxes_t = jnp.pad(boxes_t, ((0, 0), (0, _NPAD - _N)))
    scores_p = jnp.pad(scores, ((0, 0), (0, _NPAD - _N)))
    out = _nms_sc(boxes_t, scores_p)
    return out[:, : _MAX_DET * 5].reshape(_B, _MAX_DET, 5)

# --- scband reference (transcript-rebuilt; emitter-appended) ---
"""Pipeline reference for scband-person-detector-onnx-34368328302675 (READ-ONLY COPY).

The authoritative reference and input builder live on the scoring server;
editing this copy changes nothing except your own understanding.
"""

import jax, jax.numpy as jnp
import numpy as np

B = 8
N = 8400
MAX_DET = 150
SCORE_THR = 0.2
IOU_THR = 0.7

def cxcywh_to_xyxy(b):
    # matches the torch post-processing: boxes = [cx-w/2, cy-h/2, cx+w/2, cy+h/2]
    return jnp.stack([
        b[..., 0] - b[..., 2] / 2,
        b[..., 1] - b[..., 3] / 2,
        b[..., 0] + b[..., 2] / 2,
        b[..., 1] + b[..., 3] / 2,
    ], axis=-1)

def iou_one_vs_all(box, boxes):
    x1 = jnp.maximum(box[0], boxes[:, 0])
    y1 = jnp.maximum(box[1], boxes[:, 1])
    x2 = jnp.minimum(box[2], boxes[:, 2])
    y2 = jnp.minimum(box[3], boxes[:, 3])
    inter = jnp.clip(x2 - x1, 0.0) * jnp.clip(y2 - y1, 0.0)
    area_a = jnp.clip(box[2] - box[0], 0.0) * jnp.clip(box[3] - box[1], 0.0)
    area_b = jnp.clip(boxes[:, 2] - boxes[:, 0], 0.0) * jnp.clip(boxes[:, 3] - boxes[:, 1], 0.0)
    return inter / (area_a + area_b - inter + 1e-9)

def nms_single(boxes_xyxy, scores):
    # score thresholding (scores > threshold), then greedy NMS, keep top max_detections
    s0 = jnp.where(scores > SCORE_THR, scores, -jnp.inf)

    def step(s, _):
        idx = jnp.argmax(s)
        sc = s[idx]
        box = boxes_xyxy[idx]
        keep = sc > -jnp.inf
        ious = iou_one_vs_all(box, boxes_xyxy)
        s_new = jnp.where(ious > IOU_THR, -jnp.inf, s)
        s_new = s_new.at[idx].set(-jnp.inf)
        out_box = jnp.where(keep, box, jnp.zeros_like(box))
        out_sc = jnp.where(keep, sc, jnp.zeros(()))
        return s_new, jnp.concatenate([out_box, out_sc[None]], axis=0)

    _, sel = jax.lax.scan(step, s0, None, length=MAX_DET)
    return sel  # [MAX_DET, 5] = (x1, y1, x2, y2, score), zero-padded

def setup_inputs(seed: int = 0) -> dict:
    key = jax.random.key(seed)
    k1, k2 = jax.random.split(key)
    boxes = jax.random.uniform(k1, (B, N, 4), dtype=jnp.float32)   # cx, cy, w, h
    scores = jax.random.uniform(k2, (B, N), dtype=jnp.float32)     # person-class scores
    return {"boxes": boxes, "scores": scores}

def reference(boxes, scores):
    boxes_xyxy = cxcywh_to_xyxy(boxes)
    return jax.vmap(nms_single)(boxes_xyxy, scores)  # [B, MAX_DET, 5]

if __name__ == "__main__":
    import jax
    _d = setup_inputs()
    print(jax.jit(kernel)(*tuple(_d.values())))

</pallas_src>

<mosaic_0001>
#map = affine_map<(d0, d1) -> (0, 0)>
module attributes {stable_mosaic.version = 14 : i64} {
  func.func @_nms_body(%arg0: i32, %arg1: i32, %arg2: memref<32x8448xf32, #tpu.memory_space<hbm>>, %arg3: memref<8x8448xf32, #tpu.memory_space<hbm>>, %arg4: memref<8x768xf32, #tpu.memory_space<hbm>>, %arg5: memref<2112xf32, #tpu.memory_space<vmem>>, %arg6: memref<2112xf32, #tpu.memory_space<vmem>>, %arg7: memref<2112xf32, #tpu.memory_space<vmem>>, %arg8: memref<2112xf32, #tpu.memory_space<vmem>>, %arg9: memref<2112xf32, #tpu.memory_space<vmem>>, %arg10: memref<2112xf32, #tpu.memory_space<vmem>>, %arg11: memref<128xf32, #tpu.memory_space<vmem>>, %arg12: memref<4x128xf32, #tpu.memory_space<vmem>>, %arg13: memref<768xf32, #tpu.memory_space<vmem>>, %arg14: memref<32x128xf32, #tpu.memory_space<vmem_shared>>) attributes {dimension_semantics = [#tpu.dimension_semantics<core_parallel>, #tpu.dimension_semantics<subcore_parallel>], iteration_bounds = array<i64: 2, 16>, scalar_prefetch = 0 : i64, scratch_operands = 10 : i64, tpu.core_type = #tpu.core_type<sc_vector_subcore>, window_params = [{transform_indices = #map}, {transform_indices = #map}, {transform_indices = #map}]} {
    %mul3A = arith.constant 4 : i32
    %mul3A_0 = arith.muli %arg0, %mul3A : i32
    %jit3A = arith.constant 4 : i32
    %div3A = arith.divsi %arg1, %jit3A : i32
    %sign3A = arith.constant 0 : i32
    %sign3A_1 = arith.cmpi sgt, %arg1, %sign3A : i32
    %sign3A_2 = arith.extui %sign3A_1 : i1 to i32
    %sign3A_3 = arith.constant 0 : i32
    %sign3A_4 = arith.cmpi slt, %arg1, %sign3A_3 : i32
    %sign3A_5 = arith.extui %sign3A_4 : i1 to i32
    %sign3A_6 = arith.subi %sign3A_2, %sign3A_5 : i32
    %sign3A_7 = arith.constant 0 : i32
    %sign3A_8 = arith.cmpi sgt, %jit3A, %sign3A_7 : i32
    %sign3A_9 = arith.extui %sign3A_8 : i1 to i32
    %sign3A_10 = arith.constant 0 : i32
    %sign3A_11 = arith.cmpi slt, %jit3A, %sign3A_10 : i32
    %sign3A_12 = arith.extui %sign3A_11 : i1 to i32
    %sign3A_13 = arith.subi %sign3A_9, %sign3A_12 : i32
    %ne3A = arith.cmpi ne, %sign3A_6, %sign3A_13 : i32
    %rem3A = arith.remsi %arg1, %jit3A : i32
    %ne3A_14 = arith.constant 0 : i32
    %ne3A_15 = arith.cmpi ne, %rem3A, %ne3A_14 : i32
    %and3A = arith.andi %ne3A, %ne3A_15 : i1
    %sub3A = arith.constant 1 : i32
    %sub3A_16 = arith.subi %div3A, %sub3A : i32
    %select_n3A = arith.select %and3A, %sub3A_16, %div3A : i32
    %add3A = arith.addi %mul3A_0, %select_n3A : i32
    %jit3A_17 = arith.constant 4 : i32
    %eq3A = arith.constant 0 : i32
    %eq3A_18 = arith.cmpi eq, %jit3A_17, %eq3A : i32
    %jit3A_19 = arith.constant 1 : i32
    %select_n3A_20 = arith.select %eq3A_18, %jit3A_19, %jit3A_17 : i32
    %rem3A_21 = arith.remsi %arg1, %select_n3A_20 : i32
    %ne3A_22 = arith.constant 0 : i32
    %ne3A_23 = arith.cmpi ne, %rem3A_21, %ne3A_22 : i32
    %lt3A = arith.constant 0 : i32
    %lt3A_24 = arith.cmpi slt, %rem3A_21, %lt3A : i32
    %lt3A_25 = arith.constant 0 : i32
    %lt3A_26 = arith.cmpi slt, %select_n3A_20, %lt3A_25 : i32
    %ne3A_27 = arith.xori %lt3A_24, %lt3A_26 : i1
    %and3A_28 = arith.andi %ne3A_27, %ne3A_23 : i1
    %add3A_29 = arith.addi %rem3A_21, %select_n3A_20 : i32
    %select_n3A_30 = arith.select %and3A_28, %add3A_29, %rem3A_21 : i32
    %mul3A_31 = arith.constant 2112 : i32
    %mul3A_32 = arith.muli %select_n3A_30, %mul3A_31 : i32
    "tpu.region"() ({
      %run_scoped3A = tpu.sem_alloc : memref<!tpu.dma_semaphore, #tpu.memory_space<semaphore_mem>>
      %dma_start3A = tpu.memref_slice %arg3[%add3A, %mul3A_32] : memref<8x8448xf32, #tpu.memory_space<hbm>> -> memref<1x2112xf32, #tpu.memory_space<hbm>>
      %dma_start3A_65 = tpu.memref_squeeze %dma_start3A : memref<1x2112xf32, #tpu.memory_space<hbm>> -> memref<2112xf32, #tpu.memory_space<hbm>>
      %dma_start3A_66 = tpu.memref_slice %arg3[%add3A, %mul3A_32] : memref<8x8448xf32, #tpu.memory_space<hbm>> -> memref<1x2112xf32, #tpu.memory_space<hbm>>
      %dma_start3A_67 = tpu.memref_squeeze %dma_start3A_66 : memref<1x2112xf32, #tpu.memory_space<hbm>> -> memref<2112xf32, #tpu.memory_space<hbm>>
      tpu.enqueue_dma source(%dma_start3A_67 : memref<2112xf32, #tpu.memory_space<hbm>>) target(%arg5 : memref<2112xf32, #tpu.memory_space<vmem>>) target_semaphore(%run_scoped3A : memref<!tpu.dma_semaphore, #tpu.memory_space<semaphore_mem>>)
      %dma_wait3A = tpu.memref_slice %arg3[%add3A, %mul3A_32] : memref<8x8448xf32, #tpu.memory_space<hbm>> -> memref<1x2112xf32, #tpu.memory_space<hbm>>
      %dma_wait3A_68 = tpu.memref_squeeze %dma_wait3A : memref<1x2112xf32, #tpu.memory_space<hbm>> -> memref<2112xf32, #tpu.memory_space<hbm>>
      %dma_wait3A_69 = tpu.memref_slice %arg3[%add3A, %mul3A_32] : memref<8x8448xf32, #tpu.memory_space<hbm>> -> memref<1x2112xf32, #tpu.memory_space<hbm>>
      %dma_wait3A_70 = tpu.memref_squeeze %dma_wait3A_69 : memref<1x2112xf32, #tpu.memory_space<hbm>> -> memref<2112xf32, #tpu.memory_space<hbm>>
      tpu.wait_dma2 semaphore(%run_scoped3A : memref<!tpu.dma_semaphore, #tpu.memory_space<semaphore_mem>>) src(%dma_wait3A_70 : memref<2112xf32, #tpu.memory_space<hbm>>) dst(%arg5 : memref<2112xf32, #tpu.memory_space<vmem>>)
      tpu.yield
    }) : () -> ()
    %mul3A_33 = arith.constant 4 : i32
    %mul3A_34 = arith.muli %mul3A_33, %add3A : i32
    %add3A_35 = arith.constant 0 : i32
    %add3A_36 = arith.addi %mul3A_34, %add3A_35 : i32
    "tpu.region"() ({
      %run_scoped3A = tpu.sem_alloc : memref<!tpu.dma_semaphore, #tpu.memory_space<semaphore_mem>>
      %dma_start3A = tpu.memref_slice %arg2[%add3A_36, %mul3A_32] : memref<32x8448xf32, #tpu.memory_space<hbm>> -> memref<1x2112xf32, #tpu.memory_space<hbm>>
      %dma_start3A_65 = tpu.memref_squeeze %dma_start3A : memref<1x2112xf32, #tpu.memory_space<hbm>> -> memref<2112xf32, #tpu.memory_space<hbm>>
      %dma_start3A_66 = tpu.memref_slice %arg2[%add3A_36, %mul3A_32] : memref<32x8448xf32, #tpu.memory_space<hbm>> -> memref<1x2112xf32, #tpu.memory_space<hbm>>
      %dma_start3A_67 = tpu.memref_squeeze %dma_start3A_66 : memref<1x2112xf32, #tpu.memory_space<hbm>> -> memref<2112xf32, #tpu.memory_space<hbm>>
      tpu.enqueue_dma source(%dma_start3A_67 : memref<2112xf32, #tpu.memory_space<hbm>>) target(%arg6 : memref<2112xf32, #tpu.memory_space<vmem>>) target_semaphore(%run_scoped3A : memref<!tpu.dma_semaphore, #tpu.memory_space<semaphore_mem>>)
      %dma_wait3A = tpu.memref_slice %arg2[%add3A_36, %mul3A_32] : memref<32x8448xf32, #tpu.memory_space<hbm>> -> memref<1x2112xf32, #tpu.memory_space<hbm>>
      %dma_wait3A_68 = tpu.memref_squeeze %dma_wait3A : memref<1x2112xf32, #tpu.memory_space<hbm>> -> memref<2112xf32, #tpu.memory_space<hbm>>
      %dma_wait3A_69 = tpu.memref_slice %arg2[%add3A_36, %mul3A_32] : memref<32x8448xf32, #tpu.memory_space<hbm>> -> memref<1x2112xf32, #tpu.memory_space<hbm>>
      %dma_wait3A_70 = tpu.memref_squeeze %dma_wait3A_69 : memref<1x2112xf32, #tpu.memory_space<hbm>> -> memref<2112xf32, #tpu.memory_space<hbm>>
      tpu.wait_dma2 semaphore(%run_scoped3A : memref<!tpu.dma_semaphore, #tpu.memory_space<semaphore_mem>>) src(%dma_wait3A_70 : memref<2112xf32, #tpu.memory_space<hbm>>) dst(%arg6 : memref<2112xf32, #tpu.memory_space<vmem>>)
      tpu.yield
    }) : () -> ()
    %mul3A_37 = arith.constant 4 : i32
    %mul3A_38 = arith.muli %mul3A_37, %add3A : i32
    %add3A_39 = arith.constant 1 : i32
    %add3A_40 = arith.addi %mul3A_38, %add3A_39 : i32
    "tpu.region"() ({
      %run_scoped3A = tpu.sem_alloc : memref<!tpu.dma_semaphore, #tpu.memory_space<semaphore_mem>>
      %dma_start3A = tpu.memref_slice %arg2[%add3A_40, %mul3A_32] : memref<32x8448xf32, #tpu.memory_space<hbm>> -> memref<1x2112xf32, #tpu.memory_space<hbm>>
      %dma_start3A_65 = tpu.memref_squeeze %dma_start3A : memref<1x2112xf32, #tpu.memory_space<hbm>> -> memref<2112xf32, #tpu.memory_space<hbm>>
      %dma_start3A_66 = tpu.memref_slice %arg2[%add3A_40, %mul3A_32] : memref<32x8448xf32, #tpu.memory_space<hbm>> -> memref<1x2112xf32, #tpu.memory_space<hbm>>
      %dma_start3A_67 = tpu.memref_squeeze %dma_start3A_66 : memref<1x2112xf32, #tpu.memory_space<hbm>> -> memref<2112xf32, #tpu.memory_space<hbm>>
      tpu.enqueue_dma source(%dma_start3A_67 : memref<2112xf32, #tpu.memory_space<hbm>>) target(%arg7 : memref<2112xf32, #tpu.memory_space<vmem>>) target_semaphore(%run_scoped3A : memref<!tpu.dma_semaphore, #tpu.memory_space<semaphore_mem>>)
      %dma_wait3A = tpu.memref_slice %arg2[%add3A_40, %mul3A_32] : memref<32x8448xf32, #tpu.memory_space<hbm>> -> memref<1x2112xf32, #tpu.memory_space<hbm>>
      %dma_wait3A_68 = tpu.memref_squeeze %dma_wait3A : memref<1x2112xf32, #tpu.memory_space<hbm>> -> memref<2112xf32, #tpu.memory_space<hbm>>
      %dma_wait3A_69 = tpu.memref_slice %arg2[%add3A_40, %mul3A_32] : memref<32x8448xf32, #tpu.memory_space<hbm>> -> memref<1x2112xf32, #tpu.memory_space<hbm>>
      %dma_wait3A_70 = tpu.memref_squeeze %dma_wait3A_69 : memref<1x2112xf32, #tpu.memory_space<hbm>> -> memref<2112xf32, #tpu.memory_space<hbm>>
      tpu.wait_dma2 semaphore(%run_scoped3A : memref<!tpu.dma_semaphore, #tpu.memory_space<semaphore_mem>>) src(%dma_wait3A_70 : memref<2112xf32, #tpu.memory_space<hbm>>) dst(%arg7 : memref<2112xf32, #tpu.memory_space<vmem>>)
      tpu.yield
    }) : () -> ()
    %mul3A_41 = arith.constant 4 : i32
    %mul3A_42 = arith.muli %mul3A_41, %add3A : i32
    %add3A_43 = arith.constant 2 : i32
    %add3A_44 = arith.addi %mul3A_42, %add3A_43 : i32
    "tpu.region"() ({
      %run_scoped3A = tpu.sem_alloc : memref<!tpu.dma_semaphore, #tpu.memory_space<semaphore_mem>>
      %dma_start3A = tpu.memref_slice %arg2[%add3A_44, %mul3A_32] : memref<32x8448xf32, #tpu.memory_space<hbm>> -> memref<1x2112xf32, #tpu.memory_space<hbm>>
      %dma_start3A_65 = tpu.memref_squeeze %dma_start3A : memref<1x2112xf32, #tpu.memory_space<hbm>> -> memref<2112xf32, #tpu.memory_space<hbm>>
      %dma_start3A_66 = tpu.memref_slice %arg2[%add3A_44, %mul3A_32] : memref<32x8448xf32, #tpu.memory_space<hbm>> -> memref<1x2112xf32, #tpu.memory_space<hbm>>
      %dma_start3A_67 = tpu.memref_squeeze %dma_start3A_66 : memref<1x2112xf32, #tpu.memory_space<hbm>> -> memref<2112xf32, #tpu.memory_space<hbm>>
      tpu.enqueue_dma source(%dma_start3A_67 : memref<2112xf32, #tpu.memory_space<hbm>>) target(%arg8 : memref<2112xf32, #tpu.memory_space<vmem>>) target_semaphore(%run_scoped3A : memref<!tpu.dma_semaphore, #tpu.memory_space<semaphore_mem>>)
      %dma_wait3A = tpu.memref_slice %arg2[%add3A_44, %mul3A_32] : memref<32x8448xf32, #tpu.memory_space<hbm>> -> memref<1x2112xf32, #tpu.memory_space<hbm>>
      %dma_wait3A_68 = tpu.memref_squeeze %dma_wait3A : memref<1x2112xf32, #tpu.memory_space<hbm>> -> memref<2112xf32, #tpu.memory_space<hbm>>
      %dma_wait3A_69 = tpu.memref_slice %arg2[%add3A_44, %mul3A_32] : memref<32x8448xf32, #tpu.memory_space<hbm>> -> memref<1x2112xf32, #tpu.memory_space<hbm>>
      %dma_wait3A_70 = tpu.memref_squeeze %dma_wait3A_69 : memref<1x2112xf32, #tpu.memory_space<hbm>> -> memref<2112xf32, #tpu.memory_space<hbm>>
      tpu.wait_dma2 semaphore(%run_scoped3A : memref<!tpu.dma_semaphore, #tpu.memory_space<semaphore_mem>>) src(%dma_wait3A_70 : memref<2112xf32, #tpu.memory_space<hbm>>) dst(%arg8 : memref<2112xf32, #tpu.memory_space<vmem>>)
      tpu.yield
    }) : () -> ()
    %mul3A_45 = arith.constant 4 : i32
    %mul3A_46 = arith.muli %mul3A_45, %add3A : i32
    %add3A_47 = arith.constant 3 : i32
    %add3A_48 = arith.addi %mul3A_46, %add3A_47 : i32
    "tpu.region"() ({
      %run_scoped3A = tpu.sem_alloc : memref<!tpu.dma_semaphore, #tpu.memory_space<semaphore_mem>>
      %dma_start3A = tpu.memref_slice %arg2[%add3A_48, %mul3A_32] : memref<32x8448xf32, #tpu.memory_space<hbm>> -> memref<1x2112xf32, #tpu.memory_space<hbm>>
      %dma_start3A_65 = tpu.memref_squeeze %dma_start3A : memref<1x2112xf32, #tpu.memory_space<hbm>> -> memref<2112xf32, #tpu.memory_space<hbm>>
      %dma_start3A_66 = tpu.memref_slice %arg2[%add3A_48, %mul3A_32] : memref<32x8448xf32, #tpu.memory_space<hbm>> -> memref<1x2112xf32, #tpu.memory_space<hbm>>
      %dma_start3A_67 = tpu.memref_squeeze %dma_start3A_66 : memref<1x2112xf32, #tpu.memory_space<hbm>> -> memref<2112xf32, #tpu.memory_space<hbm>>
      tpu.enqueue_dma source(%dma_start3A_67 : memref<2112xf32, #tpu.memory_space<hbm>>) target(%arg9 : memref<2112xf32, #tpu.memory_space<vmem>>) target_semaphore(%run_scoped3A : memref<!tpu.dma_semaphore, #tpu.memory_space<semaphore_mem>>)
      %dma_wait3A = tpu.memref_slice %arg2[%add3A_48, %mul3A_32] : memref<32x8448xf32, #tpu.memory_space<hbm>> -> memref<1x2112xf32, #tpu.memory_space<hbm>>
      %dma_wait3A_68 = tpu.memref_squeeze %dma_wait3A : memref<1x2112xf32, #tpu.memory_space<hbm>> -> memref<2112xf32, #tpu.memory_space<hbm>>
      %dma_wait3A_69 = tpu.memref_slice %arg2[%add3A_48, %mul3A_32] : memref<32x8448xf32, #tpu.memory_space<hbm>> -> memref<1x2112xf32, #tpu.memory_space<hbm>>
      %dma_wait3A_70 = tpu.memref_squeeze %dma_wait3A_69 : memref<1x2112xf32, #tpu.memory_space<hbm>> -> memref<2112xf32, #tpu.memory_space<hbm>>
      tpu.wait_dma2 semaphore(%run_scoped3A : memref<!tpu.dma_semaphore, #tpu.memory_space<semaphore_mem>>) src(%dma_wait3A_70 : memref<2112xf32, #tpu.memory_space<hbm>>) dst(%arg9 : memref<2112xf32, #tpu.memory_space<vmem>>)
      tpu.yield
    }) : () -> ()
    %iota3A = tpu.iota {dimensions = array<i32: 0>} : vector<16xi32>
    %broadcast_in_dim3A = arith.constant 0xFF800000 : f32
    %broadcast_in_dim3A_49 = vector.broadcast %broadcast_in_dim3A : f32 to vector<16xf32>
    %broadcast_in_dim3A_50 = arith.constant 0 : i32
    %broadcast_in_dim3A_51 = vector.broadcast %broadcast_in_dim3A_50 : i32 to vector<16xi32>
    %parallel_loop3A = arith.constant 0 : i32
    %parallel_loop3A_52 = arith.constant 132 : i32
    %parallel_loop3A_53 = arith.constant 1 : i32
    %parallel_loop3A_54 = arith.constant 0xFF800000 : f32
    %parallel_loop3A_55:2 = scf.for %parallel_loop3A_65 = %parallel_loop3A to %parallel_loop3A_52 step %parallel_loop3A_53 iter_args(%parallel_loop3A_66 = %broadcast_in_dim3A_49, %parallel_loop3A_67 = %broadcast_in_dim3A_51) -> (vector<16xf32>, vector<16xi32>)  : i32 {
      %parallel_loop3A_68 = arith.constant 16 : i32
      %parallel_loop3A_69 = arith.muli %parallel_loop3A_65, %parallel_loop3A_68 : i32
      %parallel_loop3A_70 = arith.index_cast %parallel_loop3A_69 : i32 to index
      %parallel_loop3A_71 = tpu.vector_load %arg6[%parallel_loop3A_70] {strides = array<i32>} : memref<2112xf32, #tpu.memory_space<vmem>>, vector<16xf32>,
      %parallel_loop3A_72 = arith.index_cast %parallel_loop3A_69 : i32 to index
      %parallel_loop3A_73 = tpu.vector_load %arg7[%parallel_loop3A_72] {strides = array<i32>} : memref<2112xf32, #tpu.memory_space<vmem>>, vector<16xf32>,
      %parallel_loop3A_74 = arith.index_cast %parallel_loop3A_69 : i32 to index
      %parallel_loop3A_75 = tpu.vector_load %arg8[%parallel_loop3A_74] {strides = array<i32>} : memref<2112xf32, #tpu.memory_space<vmem>>, vector<16xf32>,
      %parallel_loop3A_76 = arith.index_cast %parallel_loop3A_69 : i32 to index
      %parallel_loop3A_77 = tpu.vector_load %arg9[%parallel_loop3A_76] {strides = array<i32>} : memref<2112xf32, #tpu.memory_space<vmem>>, vector<16xf32>,
      %parallel_loop3A_78 = arith.constant 5.000000e-01 : f32
      %parallel_loop3A_79 = vector.broadcast %parallel_loop3A_78 : f32 to vector<16xf32>
      %parallel_loop3A_80 = arith.mulf %parallel_loop3A_75, %parallel_loop3A_79 : vector<16xf32>
      %parallel_loop3A_81 = arith.subf %parallel_loop3A_71, %parallel_loop3A_80 : vector<16xf32>
      %parallel_loop3A_82 = arith.constant 5.000000e-01 : f32
      %parallel_loop3A_83 = vector.broadcast %parallel_loop3A_82 : f32 to vector<16xf32>
      %parallel_loop3A_84 = arith.mulf %parallel_loop3A_77, %parallel_loop3A_83 : vector<16xf32>
      %parallel_loop3A_85 = arith.subf %parallel_loop3A_73, %parallel_loop3A_84 : vector<16xf32>
      %parallel_loop3A_86 = arith.constant 5.000000e-01 : f32
      %parallel_loop3A_87 = vector.broadcast %parallel_loop3A_86 : f32 to vector<16xf32>
      %parallel_loop3A_88 = arith.mulf %parallel_loop3A_75, %parallel_loop3A_87 : vector<16xf32>
      %parallel_loop3A_89 = arith.addf %parallel_loop3A_71, %parallel_loop3A_88 : vector<16xf32>
      %parallel_loop3A_90 = arith.constant 5.000000e-01 : f32
      %parallel_loop3A_91 = vector.broadcast %parallel_loop3A_90 : f32 to vector<16xf32>
      %parallel_loop3A_92 = arith.mulf %parallel_loop3A_77, %parallel_loop3A_91 : vector<16xf32>
      %parallel_loop3A_93 = arith.addf %parallel_loop3A_73, %parallel_loop3A_92 : vector<16xf32>
      %parallel_loop3A_94 = arith.index_cast %parallel_loop3A_69 : i32 to index
      %parallel_loop3A_95 = tpu.vector_load %arg6[%parallel_loop3A_94] {strides = array<i32>} : memref<2112xf32, #tpu.memory_space<vmem>>, vector<16xf32>,
      tpu.vector_store %arg6[%parallel_loop3A_94], %parallel_loop3A_81 {strides = array<i32>} : memref<2112xf32, #tpu.memory_space<vmem>>, vector<16xf32>,
      %parallel_loop3A_96 = arith.index_cast %parallel_loop3A_69 : i32 to index
      %parallel_loop3A_97 = tpu.vector_load %arg7[%parallel_loop3A_96] {strides = array<i32>} : memref<2112xf32, #tpu.memory_space<vmem>>, vector<16xf32>,
      tpu.vector_store %arg7[%parallel_loop3A_96], %parallel_loop3A_85 {strides = array<i32>} : memref<2112xf32, #tpu.memory_space<vmem>>, vector<16xf32>,
      %parallel_loop3A_98 = arith.index_cast %parallel_loop3A_69 : i32 to index
      %parallel_loop3A_99 = tpu.vector_load %arg8[%parallel_loop3A_98] {strides = array<i32>} : memref<2112xf32, #tpu.memory_space<vmem>>, vector<16xf32>,
      tpu.vector_store %arg8[%parallel_loop3A_98], %parallel_loop3A_89 {strides = array<i32>} : memref<2112xf32, #tpu.memory_space<vmem>>, vector<16xf32>,
      %parallel_loop3A_100 = arith.index_cast %parallel_loop3A_69 : i32 to index
      %parallel_loop3A_101 = tpu.vector_load %arg9[%parallel_loop3A_100] {strides = array<i32>} : memref<2112xf32, #tpu.memory_space<vmem>>, vector<16xf32>,
      tpu.vector_store %arg9[%parallel_loop3A_100], %parallel_loop3A_93 {strides = array<i32>} : memref<2112xf32, #tpu.memory_space<vmem>>, vector<16xf32>,
      %parallel_loop3A_102 = arith.subf %parallel_loop3A_89, %parallel_loop3A_81 : vector<16xf32>
      %parallel_loop3A_103 = arith.constant 0.000000e+00 : f32
      %parallel_loop3A_104 = vector.broadcast %parallel_loop3A_103 : f32 to vector<16xf32>
      %parallel_loop3A_105 = arith.maximumf %parallel_loop3A_102, %parallel_loop3A_104 : vector<16xf32>
      %parallel_loop3A_106 = arith.subf %parallel_loop3A_93, %parallel_loop3A_85 : vector<16xf32>
      %parallel_loop3A_107 = arith.constant 0.000000e+00 : f32
      %parallel_loop3A_108 = vector.broadcast %parallel_loop3A_107 : f32 to vector<16xf32>
      %parallel_loop3A_109 = arith.maximumf %parallel_loop3A_106, %parallel_loop3A_108 : vector<16xf32>
      %parallel_loop3A_110 = arith.mulf %parallel_loop3A_105, %parallel_loop3A_109 : vector<16xf32>
      %parallel_loop3A_111 = arith.index_cast %parallel_loop3A_69 : i32 to index
      %parallel_loop3A_112 = tpu.vector_load %arg10[%parallel_loop3A_111] {strides = array<i32>} : memref<2112xf32, #tpu.memory_space<vmem>>, vector<16xf32>,
      tpu.vector_store %arg10[%parallel_loop3A_111], %parallel_loop3A_110 {strides = array<i32>} : memref<2112xf32, #tpu.memory_space<vmem>>, vector<16xf32>,
      %parallel_loop3A_113 = arith.index_cast %parallel_loop3A_69 : i32 to index
      %parallel_loop3A_114 = tpu.vector_load %arg5[%parallel_loop3A_113] {strides = array<i32>} : memref<2112xf32, #tpu.memory_space<vmem>>, vector<16xf32>,
      %parallel_loop3A_115 = arith.constant 2.000000e-01 : f32
      %parallel_loop3A_116 = vector.broadcast %parallel_loop3A_115 : f32 to vector<16xf32>
      %parallel_loop3A_117 = arith.cmpf ogt, %parallel_loop3A_114, %parallel_loop3A_116 : vector<16xf32>
      %parallel_loop3A_118 = vector.broadcast %parallel_loop3A_54 : f32 to vector<16xf32>
      %parallel_loop3A_119 = arith.select %parallel_loop3A_117, %parallel_loop3A_114, %parallel_loop3A_118 : vector<16xi1>, vector<16xf32>
      %parallel_loop3A_120 = arith.index_cast %parallel_loop3A_69 : i32 to index
      %parallel_loop3A_121 = tpu.vector_load %arg5[%parallel_loop3A_120] {strides = array<i32>} : memref<2112xf32, #tpu.memory_space<vmem>>, vector<16xf32>,
      tpu.vector_store %arg5[%parallel_loop3A_120], %parallel_loop3A_119 {strides = array<i32>} : memref<2112xf32, #tpu.memory_space<vmem>>, vector<16xf32>,
      %parallel_loop3A_122 = arith.constant 16 : i32
      %parallel_loop3A_123 = arith.muli %parallel_loop3A_65, %parallel_loop3A_122 : i32
      %parallel_loop3A_124 = arith.addi %mul3A_32, %parallel_loop3A_123 : i32
      %parallel_loop3A_125 = vector.broadcast %parallel_loop3A_124 : i32 to vector<16xi32>
      %parallel_loop3A_126 = arith.addi %parallel_loop3A_125, %iota3A : vector<16xi32>
      %parallel_loop3A_127 = arith.cmpf ogt, %parallel_loop3A_119, %parallel_loop3A_66 : vector<16xf32>
      %parallel_loop3A_128 = arith.select %parallel_loop3A_127, %parallel_loop3A_119, %parallel_loop3A_66 : vector<16xi1>, vector<16xf32>
      %parallel_loop3A_129 = arith.select %parallel_loop3A_127, %parallel_loop3A_126, %parallel_loop3A_67 : vector<16xi1>, vector<16xi32>
      scf.yield %parallel_loop3A_128, %parallel_loop3A_129 : vector<16xf32>, vector<16xi32>
    } {sc.loop_unroll_factor = 6 : i64, sc.parallel_access}
    %scan3A = arith.constant 0xFF800000 : f32
    %scan3A_56 = arith.constant 0 : i32
    %scan3A_57 = arith.constant 150 : i32
    %scan3A_58 = arith.addi %scan3A_56, %scan3A_57 : i32
    %scan3A_59 = arith.constant 1 : i32
    %scan3A_60:2 = scf.for %scan3A_65 = %scan3A_56 to %scan3A_58 step %scan3A_59 iter_args(%scan3A_66 = %parallel_loop3A_55#0, %scan3A_67 = %parallel_loop3A_55#1) -> (vector<16xf32>, vector<16xi32>)  : i32 {
      %xor3A = arith.constant 8 : i32
      %xor3A_68 = vector.broadcast %xor3A : i32 to vector<16xi32>
      %xor3A_69 = arith.xori %iota3A, %xor3A_68 : vector<16xi32>
      %broadcast_in_dim3A_70 = vector.shape_cast %xor3A_69 : vector<16xi32> to vector<16x1xi32>
      %gather3A = vector.shape_cast %broadcast_in_dim3A_70 : vector<16x1xi32> to vector<16xi32>
      %gather3A_71 = tpu.dynamic_gather %scan3A_66[%gather3A] in [0] : vector<16xf32>, vector<16xi32> -> vector<16xf32>
      %max3A = arith.maximumf %scan3A_66, %gather3A_71 : vector<16xf32>
      %xor3A_72 = arith.constant 4 : i32
      %xor3A_73 = vector.broadcast %xor3A_72 : i32 to vector<16xi32>
      %xor3A_74 = arith.xori %iota3A, %xor3A_73 : vector<16xi32>
      %broadcast_in_dim3A_75 = vector.shape_cast %xor3A_74 : vector<16xi32> to vector<16x1xi32>
      %gather3A_76 = vector.shape_cast %broadcast_in_dim3A_75 : vector<16x1xi32> to vector<16xi32>
      %gather3A_77 = tpu.dynamic_gather %max3A[%gather3A_76] in [0] : vector<16xf32>, vector<16xi32> -> vector<16xf32>
      %max3A_78 = arith.maximumf %max3A, %gather3A_77 : vector<16xf32>
      %xor3A_79 = arith.constant 2 : i32
      %xor3A_80 = vector.broadcast %xor3A_79 : i32 to vector<16xi32>
      %xor3A_81 = arith.xori %iota3A, %xor3A_80 : vector<16xi32>
      %broadcast_in_dim3A_82 = vector.shape_cast %xor3A_81 : vector<16xi32> to vector<16x1xi32>
      %gather3A_83 = vector.shape_cast %broadcast_in_dim3A_82 : vector<16x1xi32> to vector<16xi32>
      %gather3A_84 = tpu.dynamic_gather %max3A_78[%gather3A_83] in [0] : vector<16xf32>, vector<16xi32> -> vector<16xf32>
      %max3A_85 = arith.maximumf %max3A_78, %gather3A_84 : vector<16xf32>
      %xor3A_86 = arith.constant 1 : i32
      %xor3A_87 = vector.broadcast %xor3A_86 : i32 to vector<16xi32>
      %xor3A_88 = arith.xori %iota3A, %xor3A_87 : vector<16xi32>
      %broadcast_in_dim3A_89 = vector.shape_cast %xor3A_88 : vector<16xi32> to vector<16x1xi32>
      %gather3A_90 = vector.shape_cast %broadcast_in_dim3A_89 : vector<16x1xi32> to vector<16xi32>
      %gather3A_91 = tpu.dynamic_gather %max3A_85[%gather3A_90] in [0] : vector<16xf32>, vector<16xi32> -> vector<16xf32>
      %max3A_92 = arith.maximumf %max3A_85, %gather3A_91 : vector<16xf32>
      %eq3A_93 = arith.cmpf oeq, %scan3A_66, %max3A_92 : vector<16xf32>
      %jit3A_94 = arith.constant 2147483647 : i32
      %broadcast_in_dim3A_95 = vector.broadcast %jit3A_94 : i32 to vector<16xi32>
      %select_n3A_96 = arith.select %eq3A_93, %scan3A_67, %broadcast_in_dim3A_95 : vector<16xi1>, vector<16xi32>
      %xor3A_97 = arith.constant 8 : i32
      %xor3A_98 = vector.broadcast %xor3A_97 : i32 to vector<16xi32>
      %xor3A_99 = arith.xori %iota3A, %xor3A_98 : vector<16xi32>
      %broadcast_in_dim3A_100 = vector.shape_cast %xor3A_99 : vector<16xi32> to vector<16x1xi32>
      %gather3A_101 = vector.shape_cast %broadcast_in_dim3A_100 : vector<16x1xi32> to vector<16xi32>
      %gather3A_102 = tpu.dynamic_gather %select_n3A_96[%gather3A_101] in [0] : vector<16xi32>, vector<16xi32> -> vector<16xi32>
      %min3A = arith.minsi %select_n3A_96, %gather3A_102 : vector<16xi32>
      %xor3A_103 = arith.constant 4 : i32
      %xor3A_104 = vector.broadcast %xor3A_103 : i32 to vector<16xi32>
      %xor3A_105 = arith.xori %iota3A, %xor3A_104 : vector<16xi32>
      %broadcast_in_dim3A_106 = vector.shape_cast %xor3A_105 : vector<16xi32> to vector<16x1xi32>
      %gather3A_107 = vector.shape_cast %broadcast_in_dim3A_106 : vector<16x1xi32> to vector<16xi32>
      %gather3A_108 = tpu.dynamic_gather %min3A[%gather3A_107] in [0] : vector<16xi32>, vector<16xi32> -> vector<16xi32>
      %min3A_109 = arith.minsi %min3A, %gather3A_108 : vector<16xi32>
      %xor3A_110 = arith.constant 2 : i32
      %xor3A_111 = vector.broadcast %xor3A_110 : i32 to vector<16xi32>
      %xor3A_112 = arith.xori %iota3A, %xor3A_111 : vector<16xi32>
      %broadcast_in_dim3A_113 = vector.shape_cast %xor3A_112 : vector<16xi32> to vector<16x1xi32>
      %gather3A_114 = vector.shape_cast %broadcast_in_dim3A_113 : vector<16x1xi32> to vector<16xi32>
      %gather3A_115 = tpu.dynamic_gather %min3A_109[%gather3A_114] in [0] : vector<16xi32>, vector<16xi32> -> vector<16xi32>
      %min3A_116 = arith.minsi %min3A_109, %gather3A_115 : vector<16xi32>
      %xor3A_117 = arith.constant 1 : i32
      %xor3A_118 = vector.broadcast %xor3A_117 : i32 to vector<16xi32>
      %xor3A_119 = arith.xori %iota3A, %xor3A_118 : vector<16xi32>
      %broadcast_in_dim3A_120 = vector.shape_cast %xor3A_119 : vector<16xi32> to vector<16x1xi32>
      %gather3A_121 = vector.shape_cast %broadcast_in_dim3A_120 : vector<16x1xi32> to vector<16xi32>
      %gather3A_122 = tpu.dynamic_gather %min3A_116[%gather3A_121] in [0] : vector<16xi32>, vector<16xi32> -> vector<16xi32>
      %min3A_123 = arith.minsi %min3A_116, %gather3A_122 : vector<16xi32>
      %sub3A_124 = vector.broadcast %mul3A_32 : i32 to vector<16xi32>
      %sub3A_125 = arith.subi %min3A_123, %sub3A_124 : vector<16xi32>
      %jit3A_126 = arith.constant 0 : i32
      %jit3A_127 = arith.constant 2111 : i32
      %max3A_128 = vector.broadcast %jit3A_126 : i32 to vector<16xi32>
      %max3A_129 = arith.maxsi %max3A_128, %sub3A_125 : vector<16xi32>
      %min3A_130 = vector.broadcast %jit3A_127 : i32 to vector<16xi32>
      %min3A_131 = arith.minsi %min3A_130, %max3A_129 : vector<16xi32>
      %gather3A_132 = tpu.vector_load_idx %arg6[%min3A_131] : memref<2112xf32, #tpu.memory_space<vmem>>[vector<16xi32>], vector<16xf32>,
      %gather3A_133 = tpu.vector_load_idx %arg7[%min3A_131] : memref<2112xf32, #tpu.memory_space<vmem>>[vector<16xi32>], vector<16xf32>,
      %gather3A_134 = tpu.vector_load_idx %arg8[%min3A_131] : memref<2112xf32, #tpu.memory_space<vmem>>[vector<16xi32>], vector<16xf32>,
      %gather3A_135 = tpu.vector_load_idx %arg9[%min3A_131] : memref<2112xf32, #tpu.memory_space<vmem>>[vector<16xi32>], vector<16xf32>,
      %gather3A_136 = tpu.vector_load_idx %arg10[%min3A_131] : memref<2112xf32, #tpu.memory_space<vmem>>[vector<16xi32>], vector<16xf32>,
      %swap3A = arith.constant 0 : index
      %swap3A_137 = tpu.vector_load %arg11[%swap3A] {strides = array<i32>} : memref<128xf32, #tpu.memory_space<vmem>>, vector<16xf32>,
      tpu.vector_store %arg11[%swap3A], %max3A_92 {strides = array<i32>} : memref<128xf32, #tpu.memory_space<vmem>>, vector<16xf32>,
      %bitcast3A = vector.bitcast %min3A_123 : vector<16xi32> to vector<16xf32>
      %swap3A_138 = arith.constant 16 : index
      %swap3A_139 = tpu.vector_load %arg11[%swap3A_138] {strides = array<i32>} : memref<128xf32, #tpu.memory_space<vmem>>, vector<16xf32>,
      tpu.vector_store %arg11[%swap3A_138], %bitcast3A {strides = array<i32>} : memref<128xf32, #tpu.memory_space<vmem>>, vector<16xf32>,
      %swap3A_140 = arith.constant 32 : index
      %swap3A_141 = tpu.vector_load %arg11[%swap3A_140] {strides = array<i32>} : memref<128xf32, #tpu.memory_space<vmem>>, vector<16xf32>,
      tpu.vector_store %arg11[%swap3A_140], %gather3A_132 {strides = array<i32>} : memref<128xf32, #tpu.memory_space<vmem>>, vector<16xf32>,
      %swap3A_142 = arith.constant 48 : index
      %swap3A_143 = tpu.vector_load %arg11[%swap3A_142] {strides = array<i32>} : memref<128xf32, #tpu.memory_space<vmem>>, vector<16xf32>,
      tpu.vector_store %arg11[%swap3A_142], %gather3A_133 {strides = array<i32>} : memref<128xf32, #tpu.memory_space<vmem>>, vector<16xf32>,
      %swap3A_144 = arith.constant 64 : index
      %swap3A_145 = tpu.vector_load %arg11[%swap3A_144] {strides = array<i32>} : memref<128xf32, #tpu.memory_space<vmem>>, vector<16xf32>,
      tpu.vector_store %arg11[%swap3A_144], %gather3A_134 {strides = array<i32>} : memref<128xf32, #tpu.memory_space<vmem>>, vector<16xf32>,
      %swap3A_146 = arith.constant 80 : index
      %swap3A_147 = tpu.vector_load %arg11[%swap3A_146] {strides = array<i32>} : memref<128xf32, #tpu.memory_space<vmem>>, vector<16xf32>,
      tpu.vector_store %arg11[%swap3A_146], %gather3A_135 {strides = array<i32>} : memref<128xf32, #tpu.memory_space<vmem>>, vector<16xf32>,
      %swap3A_148 = arith.constant 96 : index
      %swap3A_149 = tpu.vector_load %arg11[%swap3A_148] {strides = array<i32>} : memref<128xf32, #tpu.memory_space<vmem>>, vector<16xf32>,
      tpu.vector_store %arg11[%swap3A_148], %gather3A_136 {strides = array<i32>} : memref<128xf32, #tpu.memory_space<vmem>>, vector<16xf32>,
      %jit3A_150 = arith.constant 2 : i32
      %eq3A_151 = arith.constant 0 : i32
      %eq3A_152 = arith.cmpi eq, %jit3A_150, %eq3A_151 : i32
      %jit3A_153 = arith.constant 1 : i32
      %select_n3A_154 = arith.select %eq3A_152, %jit3A_153, %jit3A_150 : i32
      %rem3A_155 = arith.remsi %scan3A_65, %select_n3A_154 : i32
      %ne3A_156 = arith.constant 0 : i32
      %ne3A_157 = arith.cmpi ne, %rem3A_155, %ne3A_156 : i32
      %lt3A_158 = arith.constant 0 : i32
      %lt3A_159 = arith.cmpi slt, %rem3A_155, %lt3A_158 : i32
      %lt3A_160 = arith.constant 0 : i32
      %lt3A_161 = arith.cmpi slt, %select_n3A_154, %lt3A_160 : i32
      %ne3A_162 = arith.xori %lt3A_159, %lt3A_161 : i1
      %and3A_163 = arith.andi %ne3A_162, %ne3A_157 : i1
      %add3A_164 = arith.addi %rem3A_155, %select_n3A_154 : i32
      %select_n3A_165 = arith.select %and3A_163, %add3A_164, %rem3A_155 : i32
      %mul3A_166 = arith.constant 16 : i32
      %mul3A_167 = arith.muli %select_n3A_165, %mul3A_166 : i32
      %add3A_168 = arith.addi %mul3A_167, %arg1 : i32
      "tpu.region"() ({
        %run_scoped3A = tpu.sem_alloc : memref<!tpu.dma_semaphore, #tpu.memory_space<semaphore_mem>>
        %dma_start3A = arith.constant 0 : i32
        %dma_start3A_372 = tpu.memref_slice %arg14[%add3A_168, %dma_start3A] : memref<32x128xf32, #tpu.memory_space<vmem_shared>> -> memref<1x128xf32, #tpu.memory_space<vmem_shared>>
        %dma_start3A_373 = tpu.memref_squeeze %dma_start3A_372 : memref<1x128xf32, #tpu.memory_space<vmem_shared>> -> memref<128xf32, #tpu.memory_space<vmem_shared>>
        %dma_start3A_374 = arith.constant 0 : i32
        %dma_start3A_375 = tpu.memref_slice %arg14[%add3A_168, %dma_start3A_374] : memref<32x128xf32, #tpu.memory_space<vmem_shared>> -> memref<1x128xf32, #tpu.memory_space<vmem_shared>>
        %dma_start3A_376 = tpu.memref_squeeze %dma_start3A_375 : memref<1x128xf32, #tpu.memory_space<vmem_shared>> -> memref<128xf32, #tpu.memory_space<vmem_shared>>
        tpu.enqueue_dma source(%arg11 : memref<128xf32, #tpu.memory_space<vmem>>) target(%dma_start3A_376 : memref<128xf32, #tpu.memory_space<vmem_shared>>) target_semaphore(%run_scoped3A : memref<!tpu.dma_semaphore, #tpu.memory_space<semaphore_mem>>)
        %dma_wait3A = arith.constant 0 : i32
        %dma_wait3A_377 = tpu.memref_slice %arg14[%add3A_168, %dma_wait3A] : memref<32x128xf32, #tpu.memory_space<vmem_shared>> -> memref<1x128xf32, #tpu.memory_space<vmem_shared>>
        %dma_wait3A_378 = tpu.memref_squeeze %dma_wait3A_377 : memref<1x128xf32, #tpu.memory_space<vmem_shared>> -> memref<128xf32, #tpu.memory_space<vmem_shared>>
        %dma_wait3A_379 = arith.constant 0 : i32
        %dma_wait3A_380 = tpu.memref_slice %arg14[%add3A_168, %dma_wait3A_379] : memref<32x128xf32, #tpu.memory_space<vmem_shared>> -> memref<1x128xf32, #tpu.memory_space<vmem_shared>>
        %dma_wait3A_381 = tpu.memref_squeeze %dma_wait3A_380 : memref<1x128xf32, #tpu.memory_space<vmem_shared>> -> memref<128xf32, #tpu.memory_space<vmem_shared>>
        tpu.wait_dma2 semaphore(%run_scoped3A : memref<!tpu.dma_semaphore, #tpu.memory_space<semaphore_mem>>) src(%arg11 : memref<128xf32, #tpu.memory_space<vmem>>) dst(%dma_wait3A_381 : memref<128xf32, #tpu.memory_space<vmem_shared>>)
        tpu.yield
      }) : () -> ()
      %barrier3A = arith.constant 0 : index
      tpu.barrier barrier_id(%barrier3A)
      %jit3A_169 = arith.constant 4 : i32
      %div3A_170 = arith.divsi %arg1, %jit3A_169 : i32
      %sign3A_171 = arith.constant 0 : i32
      %sign3A_172 = arith.cmpi sgt, %arg1, %sign3A_171 : i32
      %sign3A_173 = arith.extui %sign3A_172 : i1 to i32
      %sign3A_174 = arith.constant 0 : i32
      %sign3A_175 = arith.cmpi slt, %arg1, %sign3A_174 : i32
      %sign3A_176 = arith.extui %sign3A_175 : i1 to i32
      %sign3A_177 = arith.subi %sign3A_173, %sign3A_176 : i32
      %sign3A_178 = arith.constant 0 : i32
      %sign3A_179 = arith.cmpi sgt, %jit3A_169, %sign3A_178 : i32
      %sign3A_180 = arith.extui %sign3A_179 : i1 to i32
      %sign3A_181 = arith.constant 0 : i32
      %sign3A_182 = arith.cmpi slt, %jit3A_169, %sign3A_181 : i32
      %sign3A_183 = arith.extui %sign3A_182 : i1 to i32
      %sign3A_184 = arith.subi %sign3A_180, %sign3A_183 : i32
      %ne3A_185 = arith.cmpi ne, %sign3A_177, %sign3A_184 : i32
      %rem3A_186 = arith.remsi %arg1, %jit3A_169 : i32
      %ne3A_187 = arith.constant 0 : i32
      %ne3A_188 = arith.cmpi ne, %rem3A_186, %ne3A_187 : i32
      %and3A_189 = arith.andi %ne3A_185, %ne3A_188 : i1
      %sub3A_190 = arith.constant 1 : i32
      %sub3A_191 = arith.subi %div3A_170, %sub3A_190 : i32
      %select_n3A_192 = arith.select %and3A_189, %sub3A_191, %div3A_170 : i32
      %mul3A_193 = arith.constant 4 : i32
      %mul3A_194 = arith.muli %mul3A_193, %select_n3A_192 : i32
      %add3A_195 = arith.addi %mul3A_167, %mul3A_194 : i32
      "tpu.region"() ({
        %run_scoped3A = tpu.sem_alloc : memref<!tpu.dma_semaphore, #tpu.memory_space<semaphore_mem>>
        %dma_start3A = arith.constant 0 : i32
        %dma_start3A_372 = tpu.memref_slice %arg14[%add3A_195, %dma_start3A] : memref<32x128xf32, #tpu.memory_space<vmem_shared>> -> memref<4x128xf32, #tpu.memory_space<vmem_shared>>
        %dma_start3A_373 = arith.constant 0 : i32
        %dma_start3A_374 = tpu.memref_slice %arg14[%add3A_195, %dma_start3A_373] : memref<32x128xf32, #tpu.memory_space<vmem_shared>> -> memref<4x128xf32, #tpu.memory_space<vmem_shared>>
        tpu.enqueue_dma source(%dma_start3A_374 : memref<4x128xf32, #tpu.memory_space<vmem_shared>>) target(%arg12 : memref<4x128xf32, #tpu.memory_space<vmem>>) target_semaphore(%run_scoped3A : memref<!tpu.dma_semaphore, #tpu.memory_space<semaphore_mem>>)
        %dma_wait3A = arith.constant 0 : i32
        %dma_wait3A_375 = tpu.memref_slice %arg14[%add3A_195, %dma_wait3A] : memref<32x128xf32, #tpu.memory_space<vmem_shared>> -> memref<4x128xf32, #tpu.memory_space<vmem_shared>>
        %dma_wait3A_376 = arith.constant 0 : i32
        %dma_wait3A_377 = tpu.memref_slice %arg14[%add3A_195, %dma_wait3A_376] : memref<32x128xf32, #tpu.memory_space<vmem_shared>> -> memref<4x128xf32, #tpu.memory_space<vmem_shared>>
        tpu.wait_dma2 semaphore(%run_scoped3A : memref<!tpu.dma_semaphore, #tpu.memory_space<semaphore_mem>>) src(%dma_wait3A_377 : memref<4x128xf32, #tpu.memory_space<vmem_shared>>) dst(%arg12 : memref<4x128xf32, #tpu.memory_space<vmem>>)
        tpu.yield
      }) : () -> ()
      %get3A = arith.constant 0 : i32
      %get3A_196 = arith.index_cast %get3A : i32 to index
      %get3A_197 = arith.constant 0 : index
      %get3A_198 = tpu.vector_load %arg12[%get3A_196, %get3A_197] {strides = array<i32>} : memref<4x128xf32, #tpu.memory_space<vmem>>, vector<16xf32>,
      %get3A_199 = arith.constant 0 : i32
      %get3A_200 = arith.index_cast %get3A_199 : i32 to index
      %get3A_201 = arith.constant 16 : index
      %get3A_202 = tpu.vector_load %arg12[%get3A_200, %get3A_201] {strides = array<i32>} : memref<4x128xf32, #tpu.memory_space<vmem>>, vector<16xf32>,
      %bitcast3A_203 = vector.bitcast %get3A_202 : vector<16xf32> to vector<16xi32>
      %get3A_204 = arith.constant 0 : i32
      %get3A_205 = arith.index_cast %get3A_204 : i32 to index
      %get3A_206 = arith.constant 32 : index
      %get3A_207 = tpu.vector_load %arg12[%get3A_205, %get3A_206] {strides = array<i32>} : memref<4x128xf32, #tpu.memory_space<vmem>>, vector<16xf32>,
      %get3A_208 = arith.constant 0 : i32
      %get3A_209 = arith.index_cast %get3A_208 : i32 to index
      %get3A_210 = arith.constant 48 : index
      %get3A_211 = tpu.vector_load %arg12[%get3A_209, %get3A_210] {strides = array<i32>} : memref<4x128xf32, #tpu.memory_space<vmem>>, vector<16xf32>,
      %get3A_212 = arith.constant 0 : i32
      %get3A_213 = arith.index_cast %get3A_212 : i32 to index
      %get3A_214 = arith.constant 64 : index
      %get3A_215 = tpu.vector_load %arg12[%get3A_213, %get3A_214] {strides = array<i32>} : memref<4x128xf32, #tpu.memory_space<vmem>>, vector<16xf32>,
      %get3A_216 = arith.constant 0 : i32
      %get3A_217 = arith.index_cast %get3A_216 : i32 to index
      %get3A_218 = arith.constant 80 : index
      %get3A_219 = tpu.vector_load %arg12[%get3A_217, %get3A_218] {strides = array<i32>} : memref<4x128xf32, #tpu.memory_space<vmem>>, vector<16xf32>,
      %get3A_220 = arith.constant 0 : i32
      %get3A_221 = arith.index_cast %get3A_220 : i32 to index
      %get3A_222 = arith.constant 96 : index
      %get3A_223 = tpu.vector_load %arg12[%get3A_221, %get3A_222] {strides = array<i32>} : memref<4x128xf32, #tpu.memory_space<vmem>>, vector<16xf32>,
      %get3A_224 = arith.constant 1 : i32
      %get3A_225 = arith.index_cast %get3A_224 : i32 to index
      %get3A_226 = arith.constant 0 : index
      %get3A_227 = tpu.vector_load %arg12[%get3A_225, %get3A_226] {strides = array<i32>} : memref<4x128xf32, #tpu.memory_space<vmem>>, vector<16xf32>,
      %get3A_228 = arith.constant 1 : i32
      %get3A_229 = arith.index_cast %get3A_228 : i32 to index
      %get3A_230 = arith.constant 16 : index
      %get3A_231 = tpu.vector_load %arg12[%get3A_229, %get3A_230] {strides = array<i32>} : memref<4x128xf32, #tpu.memory_space<vmem>>, vector<16xf32>,
      %bitcast3A_232 = vector.bitcast %get3A_231 : vector<16xf32> to vector<16xi32>
      %get3A_233 = arith.constant 1 : i32
      %get3A_234 = arith.index_cast %get3A_233 : i32 to index
      %get3A_235 = arith.constant 32 : index
      %get3A_236 = tpu.vector_load %arg12[%get3A_234, %get3A_235] {strides = array<i32>} : memref<4x128xf32, #tpu.memory_space<vmem>>, vector<16xf32>,
      %get3A_237 = arith.constant 1 : i32
      %get3A_238 = arith.index_cast %get3A_237 : i32 to index
      %get3A_239 = arith.constant 48 : index
      %get3A_240 = tpu.vector_load %arg12[%get3A_238, %get3A_239] {strides = array<i32>} : memref<4x128xf32, #tpu.memory_space<vmem>>, vector<16xf32>,
      %get3A_241 = arith.constant 1 : i32
      %get3A_242 = arith.index_cast %get3A_241 : i32 to index
      %get3A_243 = arith.constant 64 : index
      %get3A_244 = tpu.vector_load %arg12[%get3A_242, %get3A_243] {strides = array<i32>} : memref<4x128xf32, #tpu.memory_space<vmem>>, vector<16xf32>,
      %get3A_245 = arith.constant 1 : i32
      %get3A_246 = arith.index_cast %get3A_245 : i32 to index
      %get3A_247 = arith.constant 80 : index
      %get3A_248 = tpu.vector_load %arg12[%get3A_246, %get3A_247] {strides = array<i32>} : memref<4x128xf32, #tpu.memory_space<vmem>>, vector<16xf32>,
      %get3A_249 = arith.constant 1 : i32
      %get3A_250 = arith.index_cast %get3A_249 : i32 to index
      %get3A_251 = arith.constant 96 : index
      %get3A_252 = tpu.vector_load %arg12[%get3A_250, %get3A_251] {strides = array<i32>} : memref<4x128xf32, #tpu.memory_space<vmem>>, vector<16xf32>,
      %gt3A = arith.cmpf ogt, %get3A_198, %get3A_227 : vector<16xf32>
      %eq3A_253 = arith.cmpf oeq, %get3A_198, %get3A_227 : vector<16xf32>
      %lt3A_254 = arith.cmpi slt, %bitcast3A_203, %bitcast3A_232 : vector<16xi32>
      %and3A_255 = arith.andi %eq3A_253, %lt3A_254 : vector<16xi1>
      %or3A = arith.ori %gt3A, %and3A_255 : vector<16xi1>
      %select_n3A_256 = arith.select %or3A, %get3A_198, %get3A_227 : vector<16xi1>, vector<16xf32>
      %select_n3A_257 = arith.select %or3A, %bitcast3A_203, %bitcast3A_232 : vector<16xi1>, vector<16xi32>
      %select_n3A_258 = arith.select %or3A, %get3A_207, %get3A_236 : vector<16xi1>, vector<16xf32>
      %select_n3A_259 = arith.select %or3A, %get3A_211, %get3A_240 : vector<16xi1>, vector<16xf32>
      %select_n3A_260 = arith.select %or3A, %get3A_215, %get3A_244 : vector<16xi1>, vector<16xf32>
      %select_n3A_261 = arith.select %or3A, %get3A_219, %get3A_248 : vector<16xi1>, vector<16xf32>
      %select_n3A_262 = arith.select %or3A, %get3A_223, %get3A_252 : vector<16xi1>, vector<16xf32>
      %get3A_263 = arith.constant 2 : i32
      %get3A_264 = arith.index_cast %get3A_263 : i32 to index
      %get3A_265 = arith.constant 0 : index
      %get3A_266 = tpu.vector_load %arg12[%get3A_264, %get3A_265] {strides = array<i32>} : memref<4x128xf32, #tpu.memory_space<vmem>>, vector<16xf32>,
      %get3A_267 = arith.constant 2 : i32
      %get3A_268 = arith.index_cast %get3A_267 : i32 to index
      %get3A_269 = arith.constant 16 : index
      %get3A_270 = tpu.vector_load %arg12[%get3A_268, %get3A_269] {strides = array<i32>} : memref<4x128xf32, #tpu.memory_space<vmem>>, vector<16xf32>,
      %bitcast3A_271 = vector.bitcast %get3A_270 : vector<16xf32> to vector<16xi32>
      %get3A_272 = arith.constant 2 : i32
      %get3A_273 = arith.index_cast %get3A_272 : i32 to index
      %get3A_274 = arith.constant 32 : index
      %get3A_275 = tpu.vector_load %arg12[%get3A_273, %get3A_274] {strides = array<i32>} : memref<4x128xf32, #tpu.memory_space<vmem>>, vector<16xf32>,
      %get3A_276 = arith.constant 2 : i32
      %get3A_277 = arith.index_cast %get3A_276 : i32 to index
      %get3A_278 = arith.constant 48 : index
      %get3A_279 = tpu.vector_load %arg12[%get3A_277, %get3A_278] {strides = array<i32>} : memref<4x128xf32, #tpu.memory_space<vmem>>, vector<16xf32>,
      %get3A_280 = arith.constant 2 : i32
      %get3A_281 = arith.index_cast %get3A_280 : i32 to index
      %get3A_282 = arith.constant 64 : index
      %get3A_283 = tpu.vector_load %arg12[%get3A_281, %get3A_282] {strides = array<i32>} : memref<4x128xf32, #tpu.memory_space<vmem>>, vector<16xf32>,
      %get3A_284 = arith.constant 2 : i32
      %get3A_285 = arith.index_cast %get3A_284 : i32 to index
      %get3A_286 = arith.constant 80 : index
      %get3A_287 = tpu.vector_load %arg12[%get3A_285, %get3A_286] {strides = array<i32>} : memref<4x128xf32, #tpu.memory_space<vmem>>, vector<16xf32>,
      %get3A_288 = arith.constant 2 : i32
      %get3A_289 = arith.index_cast %get3A_288 : i32 to index
      %get3A_290 = arith.constant 96 : index
      %get3A_291 = tpu.vector_load %arg12[%get3A_289, %get3A_290] {strides = array<i32>} : memref<4x128xf32, #tpu.memory_space<vmem>>, vector<16xf32>,
      %get3A_292 = arith.constant 3 : i32
      %get3A_293 = arith.index_cast %get3A_292 : i32 to index
      %get3A_294 = arith.constant 0 : index
      %get3A_295 = tpu.vector_load %arg12[%get3A_293, %get3A_294] {strides = array<i32>} : memref<4x128xf32, #tpu.memory_space<vmem>>, vector<16xf32>,
      %get3A_296 = arith.constant 3 : i32
      %get3A_297 = arith.index_cast %get3A_296 : i32 to index
      %get3A_298 = arith.constant 16 : index
      %get3A_299 = tpu.vector_load %arg12[%get3A_297, %get3A_298] {strides = array<i32>} : memref<4x128xf32, #tpu.memory_space<vmem>>, vector<16xf32>,
      %bitcast3A_300 = vector.bitcast %get3A_299 : vector<16xf32> to vector<16xi32>
      %get3A_301 = arith.constant 3 : i32
      %get3A_302 = arith.index_cast %get3A_301 : i32 to index
      %get3A_303 = arith.constant 32 : index
      %get3A_304 = tpu.vector_load %arg12[%get3A_302, %get3A_303] {strides = array<i32>} : memref<4x128xf32, #tpu.memory_space<vmem>>, vector<16xf32>,
      %get3A_305 = arith.constant 3 : i32
      %get3A_306 = arith.index_cast %get3A_305 : i32 to index
      %get3A_307 = arith.constant 48 : index
      %get3A_308 = tpu.vector_load %arg12[%get3A_306, %get3A_307] {strides = array<i32>} : memref<4x128xf32, #tpu.memory_space<vmem>>, vector<16xf32>,
      %get3A_309 = arith.constant 3 : i32
      %get3A_310 = arith.index_cast %get3A_309 : i32 to index
      %get3A_311 = arith.constant 64 : index
      %get3A_312 = tpu.vector_load %arg12[%get3A_310, %get3A_311] {strides = array<i32>} : memref<4x128xf32, #tpu.memory_space<vmem>>, vector<16xf32>,
      %get3A_313 = arith.constant 3 : i32
      %get3A_314 = arith.index_cast %get3A_313 : i32 to index
      %get3A_315 = arith.constant 80 : index
      %get3A_316 = tpu.vector_load %arg12[%get3A_314, %get3A_315] {strides = array<i32>} : memref<4x128xf32, #tpu.memory_space<vmem>>, vector<16xf32>,
      %get3A_317 = arith.constant 3 : i32
      %get3A_318 = arith.index_cast %get3A_317 : i32 to index
      %get3A_319 = arith.constant 96 : index
      %get3A_320 = tpu.vector_load %arg12[%get3A_318, %get3A_319] {strides = array<i32>} : memref<4x128xf32, #tpu.memory_space<vmem>>, vector<16xf32>,
      %gt3A_321 = arith.cmpf ogt, %get3A_266, %get3A_295 : vector<16xf32>
      %eq3A_322 = arith.cmpf oeq, %get3A_266, %get3A_295 : vector<16xf32>
      %lt3A_323 = arith.cmpi slt, %bitcast3A_271, %bitcast3A_300 : vector<16xi32>
      %and3A_324 = arith.andi %eq3A_322, %lt3A_323 : vector<16xi1>
      %or3A_325 = arith.ori %gt3A_321, %and3A_324 : vector<16xi1>
      %select_n3A_326 = arith.select %or3A_325, %get3A_266, %get3A_295 : vector<16xi1>, vector<16xf32>
      %select_n3A_327 = arith.select %or3A_325, %bitcast3A_271, %bitcast3A_300 : vector<16xi1>, vector<16xi32>
      %select_n3A_328 = arith.select %or3A_325, %get3A_275, %get3A_304 : vector<16xi1>, vector<16xf32>
      %select_n3A_329 = arith.select %or3A_325, %get3A_279, %get3A_308 : vector<16xi1>, vector<16xf32>
      %select_n3A_330 = arith.select %or3A_325, %get3A_283, %get3A_312 : vector<16xi1>, vector<16xf32>
      %select_n3A_331 = arith.select %or3A_325, %get3A_287, %get3A_316 : vector<16xi1>, vector<16xf32>
      %select_n3A_332 = arith.select %or3A_325, %get3A_291, %get3A_320 : vector<16xi1>, vector<16xf32>
      %gt3A_333 = arith.cmpf ogt, %select_n3A_256, %select_n3A_326 : vector<16xf32>
      %eq3A_334 = arith.cmpf oeq, %select_n3A_256, %select_n3A_326 : vector<16xf32>
      %lt3A_335 = arith.cmpi slt, %select_n3A_257, %select_n3A_327 : vector<16xi32>
      %and3A_336 = arith.andi %eq3A_334, %lt3A_335 : vector<16xi1>
      %or3A_337 = arith.ori %gt3A_333, %and3A_336 : vector<16xi1>
      %select_n3A_338 = arith.select %or3A_337, %select_n3A_256, %select_n3A_326 : vector<16xi1>, vector<16xf32>
      %select_n3A_339 = arith.select %or3A_337, %select_n3A_257, %select_n3A_327 : vector<16xi1>, vector<16xi32>
      %select_n3A_340 = arith.select %or3A_337, %select_n3A_258, %select_n3A_328 : vector<16xi1>, vector<16xf32>
      %select_n3A_341 = arith.select %or3A_337, %select_n3A_259, %select_n3A_329 : vector<16xi1>, vector<16xf32>
      %select_n3A_342 = arith.select %or3A_337, %select_n3A_260, %select_n3A_330 : vector<16xi1>, vector<16xf32>
      %select_n3A_343 = arith.select %or3A_337, %select_n3A_261, %select_n3A_331 : vector<16xi1>, vector<16xf32>
      %select_n3A_344 = arith.select %or3A_337, %select_n3A_262, %select_n3A_332 : vector<16xi1>, vector<16xf32>
      %eq3A_345 = arith.constant 0 : i32
      %eq3A_346 = arith.cmpi eq, %select_n3A_30, %eq3A_345 : i32
      %convert_element_type3A_347 = arith.extui %eq3A_346 : i1 to i32
      %cond3A_348 = arith.constant 0 : i32
      %cond3A_349 = arith.cmpi ne, %convert_element_type3A_347, %cond3A_348 : i32
      scf.if %cond3A_349 {
        %gt3A_372 = arith.cmpf ogt, %select_n3A_338, %broadcast_in_dim3A_49 : vector<16xf32>
        %eq3A_373 = arith.constant 0 : i32
        %eq3A_374 = vector.broadcast %eq3A_373 : i32 to vector<16xi32>
        %eq3A_375 = arith.cmpi eq, %iota3A, %eq3A_374 : vector<16xi32>
        %eq3A_376 = arith.constant 1 : i32
        %eq3A_377 = vector.broadcast %eq3A_376 : i32 to vector<16xi32>
        %eq3A_378 = arith.cmpi eq, %iota3A, %eq3A_377 : vector<16xi32>
        %eq3A_379 = arith.constant 2 : i32
        %eq3A_380 = vector.broadcast %eq3A_379 : i32 to vector<16xi32>
        %eq3A_381 = arith.cmpi eq, %iota3A, %eq3A_380 : vector<16xi32>
        %eq3A_382 = arith.constant 3 : i32
        %eq3A_383 = vector.broadcast %eq3A_382 : i32 to vector<16xi32>
        %eq3A_384 = arith.cmpi eq, %iota3A, %eq3A_383 : vector<16xi32>
        %select_n3A_385 = arith.select %eq3A_384, %select_n3A_343, %select_n3A_338 : vector<16xi1>, vector<16xf32>
        %select_n3A_386 = arith.select %eq3A_381, %select_n3A_342, %select_n3A_385 : vector<16xi1>, vector<16xf32>
        %select_n3A_387 = arith.select %eq3A_378, %select_n3A_341, %select_n3A_386 : vector<16xi1>, vector<16xf32>
        %select_n3A_388 = arith.select %eq3A_375, %select_n3A_340, %select_n3A_387 : vector<16xi1>, vector<16xf32>
        %jit3A_389 = arith.constant 0.000000e+00 : f32
        %broadcast_in_dim3A_390 = vector.broadcast %jit3A_389 : f32 to vector<16xf32>
        %select_n3A_391 = arith.select %gt3A_372, %select_n3A_388, %broadcast_in_dim3A_390 : vector<16xi1>, vector<16xf32>
        %mul3A_392 = arith.constant 5 : i32
        %mul3A_393 = arith.muli %scan3A_65, %mul3A_392 : i32
        %add3A_394 = vector.broadcast %mul3A_393 : i32 to vector<16xi32>
        %add3A_395 = arith.addi %add3A_394, %iota3A : vector<16xi32>
        %lt3A_396 = arith.constant 5 : i32
        %lt3A_397 = vector.broadcast %lt3A_396 : i32 to vector<16xi32>
        %lt3A_398 = arith.cmpi slt, %iota3A, %lt3A_397 : vector<16xi32>
        tpu.vector_store_idx %arg13[%add3A_395], %select_n3A_391 masked %lt3A_398 : memref<768xf32, #tpu.memory_space<vmem>>[vector<16xi32>], vector<16xf32>, vector<16xi1>
      } else {
      }
      %sub3A_350 = vector.broadcast %mul3A_32 : i32 to vector<16xi32>
      %sub3A_351 = arith.subi %select_n3A_339, %sub3A_350 : vector<16xi32>
      %eq3A_352 = arith.constant 0 : i32
      %eq3A_353 = vector.broadcast %eq3A_352 : i32 to vector<16xi32>
      %eq3A_354 = arith.cmpi eq, %iota3A, %eq3A_353 : vector<16xi32>
      %ge3A = arith.constant 0 : i32
      %ge3A_355 = vector.broadcast %ge3A : i32 to vector<16xi32>
      %ge3A_356 = arith.cmpi sge, %sub3A_351, %ge3A_355 : vector<16xi32>
      %and3A_357 = arith.andi %eq3A_354, %ge3A_356 : vector<16xi1>
      %lt3A_358 = arith.constant 2112 : i32
      %lt3A_359 = vector.broadcast %lt3A_358 : i32 to vector<16xi32>
      %lt3A_360 = arith.cmpi slt, %sub3A_351, %lt3A_359 : vector<16xi32>
      %and3A_361 = arith.andi %and3A_357, %lt3A_360 : vector<16xi1>
      %jit3A_362 = arith.constant 0 : i32
      %jit3A_363 = arith.constant 2111 : i32
      %max3A_364 = vector.broadcast %jit3A_362 : i32 to vector<16xi32>
      %max3A_365 = arith.maxsi %max3A_364, %sub3A_351 : vector<16xi32>
      %min3A_366 = vector.broadcast %jit3A_363 : i32 to vector<16xi32>
      %min3A_367 = arith.minsi %min3A_366, %max3A_365 : vector<16xi32>
      tpu.vector_store_idx %arg5[%min3A_367], %broadcast_in_dim3A_49 masked %and3A_361 : memref<2112xf32, #tpu.memory_space<vmem>>[vector<16xi32>], vector<16xf32>, vector<16xi1>
      %parallel_loop3A_368 = arith.constant 0 : i32
      %parallel_loop3A_369 = arith.constant 132 : i32
      %parallel_loop3A_370 = arith.constant 1 : i32
      %parallel_loop3A_371:2 = scf.for %parallel_loop3A_372 = %parallel_loop3A_368 to %parallel_loop3A_369 step %parallel_loop3A_370 iter_args(%parallel_loop3A_373 = %broadcast_in_dim3A_49, %parallel_loop3A_374 = %broadcast_in_dim3A_51) -> (vector<16xf32>, vector<16xi32>)  : i32 {
        %parallel_loop3A_375 = arith.constant 16 : i32
        %parallel_loop3A_376 = arith.muli %parallel_loop3A_372, %parallel_loop3A_375 : i32
        %parallel_loop3A_377 = arith.index_cast %parallel_loop3A_376 : i32 to index
        %parallel_loop3A_378 = tpu.vector_load %arg6[%parallel_loop3A_377] {strides = array<i32>} : memref<2112xf32, #tpu.memory_space<vmem>>, vector<16xf32>,
        %parallel_loop3A_379 = arith.maximumf %select_n3A_340, %parallel_loop3A_378 : vector<16xf32>
        %parallel_loop3A_380 = arith.index_cast %parallel_loop3A_376 : i32 to index
        %parallel_loop3A_381 = tpu.vector_load %arg7[%parallel_loop3A_380] {strides = array<i32>} : memref<2112xf32, #tpu.memory_space<vmem>>, vector<16xf32>,
        %parallel_loop3A_382 = arith.maximumf %select_n3A_341, %parallel_loop3A_381 : vector<16xf32>
        %parallel_loop3A_383 = arith.index_cast %parallel_loop3A_376 : i32 to index
        %parallel_loop3A_384 = tpu.vector_load %arg8[%parallel_loop3A_383] {strides = array<i32>} : memref<2112xf32, #tpu.memory_space<vmem>>, vector<16xf32>,
        %parallel_loop3A_385 = arith.minimumf %select_n3A_342, %parallel_loop3A_384 : vector<16xf32>
        %parallel_loop3A_386 = arith.index_cast %parallel_loop3A_376 : i32 to index
        %parallel_loop3A_387 = tpu.vector_load %arg9[%parallel_loop3A_386] {strides = array<i32>} : memref<2112xf32, #tpu.memory_space<vmem>>, vector<16xf32>,
        %parallel_loop3A_388 = arith.minimumf %select_n3A_343, %parallel_loop3A_387 : vector<16xf32>
        %parallel_loop3A_389 = arith.subf %parallel_loop3A_385, %parallel_loop3A_379 : vector<16xf32>
        %parallel_loop3A_390 = arith.constant 0.000000e+00 : f32
        %parallel_loop3A_391 = vector.broadcast %parallel_loop3A_390 : f32 to vector<16xf32>
        %parallel_loop3A_392 = arith.maximumf %parallel_loop3A_389, %parallel_loop3A_391 : vector<16xf32>
        %parallel_loop3A_393 = arith.subf %parallel_loop3A_388, %parallel_loop3A_382 : vector<16xf32>
        %parallel_loop3A_394 = arith.constant 0.000000e+00 : f32
        %parallel_loop3A_395 = vector.broadcast %parallel_loop3A_394 : f32 to vector<16xf32>
        %parallel_loop3A_396 = arith.maximumf %parallel_loop3A_393, %parallel_loop3A_395 : vector<16xf32>
        %parallel_loop3A_397 = arith.mulf %parallel_loop3A_392, %parallel_loop3A_396 : vector<16xf32>
        %parallel_loop3A_398 = arith.index_cast %parallel_loop3A_376 : i32 to index
        %parallel_loop3A_399 = tpu.vector_load %arg10[%parallel_loop3A_398] {strides = array<i32>} : memref<2112xf32, #tpu.memory_space<vmem>>, vector<16xf32>,
        %parallel_loop3A_400 = arith.addf %select_n3A_344, %parallel_loop3A_399 : vector<16xf32>
        %parallel_loop3A_401 = arith.subf %parallel_loop3A_400, %parallel_loop3A_397 : vector<16xf32>
        %parallel_loop3A_402 = arith.constant 9.99999971E-10 : f32
        %parallel_loop3A_403 = vector.broadcast %parallel_loop3A_402 : f32 to vector<16xf32>
        %parallel_loop3A_404 = arith.addf %parallel_loop3A_401, %parallel_loop3A_403 : vector<16xf32>
        %parallel_loop3A_405 = arith.divf %parallel_loop3A_397, %parallel_loop3A_404 : vector<16xf32>
        %parallel_loop3A_406 = arith.index_cast %parallel_loop3A_376 : i32 to index
        %parallel_loop3A_407 = tpu.vector_load %arg5[%parallel_loop3A_406] {strides = array<i32>} : memref<2112xf32, #tpu.memory_space<vmem>>, vector<16xf32>,
        %parallel_loop3A_408 = arith.constant 0.699999988 : f32
        %parallel_loop3A_409 = vector.broadcast %parallel_loop3A_408 : f32 to vector<16xf32>
        %parallel_loop3A_410 = arith.cmpf ogt, %parallel_loop3A_405, %parallel_loop3A_409 : vector<16xf32>
        %parallel_loop3A_411 = vector.broadcast %scan3A : f32 to vector<16xf32>
        %parallel_loop3A_412 = arith.select %parallel_loop3A_410, %parallel_loop3A_411, %parallel_loop3A_407 : vector<16xi1>, vector<16xf32>
        %parallel_loop3A_413 = arith.index_cast %parallel_loop3A_376 : i32 to index
        %parallel_loop3A_414 = tpu.vector_load %arg5[%parallel_loop3A_413] {strides = array<i32>} : memref<2112xf32, #tpu.memory_space<vmem>>, vector<16xf32>,
        tpu.vector_store %arg5[%parallel_loop3A_413], %parallel_loop3A_412 {strides = array<i32>} : memref<2112xf32, #tpu.memory_space<vmem>>, vector<16xf32>,
        %parallel_loop3A_415 = arith.constant 16 : i32
        %parallel_loop3A_416 = arith.muli %parallel_loop3A_372, %parallel_loop3A_415 : i32
        %parallel_loop3A_417 = arith.addi %mul3A_32, %parallel_loop3A_416 : i32
        %parallel_loop3A_418 = vector.broadcast %parallel_loop3A_417 : i32 to vector<16xi32>
        %parallel_loop3A_419 = arith.addi %parallel_loop3A_418, %iota3A : vector<16xi32>
        %parallel_loop3A_420 = arith.cmpf ogt, %parallel_loop3A_412, %parallel_loop3A_373 : vector<16xf32>
        %parallel_loop3A_421 = arith.select %parallel_loop3A_420, %parallel_loop3A_412, %parallel_loop3A_373 : vector<16xi1>, vector<16xf32>
        %parallel_loop3A_422 = arith.select %parallel_loop3A_420, %parallel_loop3A_419, %parallel_loop3A_374 : vector<16xi1>, vector<16xi32>
        scf.yield %parallel_loop3A_421, %parallel_loop3A_422 : vector<16xf32>, vector<16xi32>
      } {sc.loop_unroll_factor = 6 : i64, sc.parallel_access}
      scf.yield %parallel_loop3A_371#0, %parallel_loop3A_371#1 : vector<16xf32>, vector<16xi32>
    }
    %scan3A_61 = arith.constant 150 : i32
    %eq3A_62 = arith.constant 0 : i32
    %eq3A_63 = arith.cmpi eq, %select_n3A_30, %eq3A_62 : i32
    %convert_element_type3A = arith.extui %eq3A_63 : i1 to i32
    %cond3A = arith.constant 0 : i32
    %cond3A_64 = arith.cmpi ne, %convert_element_type3A, %cond3A : i32
    scf.if %cond3A_64 {
      "tpu.region"() ({
        %run_scoped3A = tpu.sem_alloc : memref<!tpu.dma_semaphore, #tpu.memory_space<semaphore_mem>>
        %dma_start3A = arith.constant 0 : i32
        %dma_start3A_65 = tpu.memref_slice %arg4[%add3A, %dma_start3A] : memref<8x768xf32, #tpu.memory_space<hbm>> -> memref<1x768xf32, #tpu.memory_space<hbm>>
        %dma_start3A_66 = tpu.memref_squeeze %dma_start3A_65 : memref<1x768xf32, #tpu.memory_space<hbm>> -> memref<768xf32, #tpu.memory_space<hbm>>
        %dma_start3A_67 = arith.constant 0 : i32
        %dma_start3A_68 = tpu.memref_slice %arg4[%add3A, %dma_start3A_67] : memref<8x768xf32, #tpu.memory_space<hbm>> -> memref<1x768xf32, #tpu.memory_space<hbm>>
        %dma_start3A_69 = tpu.memref_squeeze %dma_start3A_68 : memref<1x768xf32, #tpu.memory_space<hbm>> -> memref<768xf32, #tpu.memory_space<hbm>>
        tpu.enqueue_dma source(%arg13 : memref<768xf32, #tpu.memory_space<vmem>>) target(%dma_start3A_69 : memref<768xf32, #tpu.memory_space<hbm>>) target_semaphore(%run_scoped3A : memref<!tpu.dma_semaphore, #tpu.memory_space<semaphore_mem>>)
        %dma_wait3A = arith.constant 0 : i32
        %dma_wait3A_70 = tpu.memref_slice %arg4[%add3A, %dma_wait3A] : memref<8x768xf32, #tpu.memory_space<hbm>> -> memref<1x768xf32, #tpu.memory_space<hbm>>
        %dma_wait3A_71 = tpu.memref_squeeze %dma_wait3A_70 : memref<1x768xf32, #tpu.memory_space<hbm>> -> memref<768xf32, #tpu.memory_space<hbm>>
        %dma_wait3A_72 = arith.constant 0 : i32
        %dma_wait3A_73 = tpu.memref_slice %arg4[%add3A, %dma_wait3A_72] : memref<8x768xf32, #tpu.memory_space<hbm>> -> memref<1x768xf32, #tpu.memory_space<hbm>>
        %dma_wait3A_74 = tpu.memref_squeeze %dma_wait3A_73 : memref<1x768xf32, #tpu.memory_space<hbm>> -> memref<768xf32, #tpu.memory_space<hbm>>
        tpu.wait_dma2 semaphore(%run_scoped3A : memref<!tpu.dma_semaphore, #tpu.memory_space<semaphore_mem>>) src(%arg13 : memref<768xf32, #tpu.memory_space<vmem>>) dst(%dma_wait3A_74 : memref<768xf32, #tpu.memory_space<hbm>>)
        tpu.yield
      }) : () -> ()
    } else {
    }
    return
  }
}

</mosaic_0001>

<sc_bundles>
// kernel: _nms_sc.3.cloned.1.call-start
scs
__scs_entry_jumppad:
0x0: {  	(pc) =	sbr.rel $0x88, $3  }
0x1: {  	(tag) =	ssettag $0x0;
	lr =	simm.s32 $0x1  }
0x2: {  	[smem:$0x3F9F] =	sst lr;
	_ =	strace $0xD0000000  }
0x3: {  	_ = 	snop  }
0x4: {  	_ = 	snop  }
0x5: {  	_ = 	snop  }
0x6: {  	_ = 	snop  }
0x7: {  	_ = 	snop  }
__scs_overlays_trampoline_lowered:
0x8: {  	[smem:$0x3FAE] =	sst s0  }
0x9: {  	[smem:$0x3FAF] =	sst s1  }
0xa: {  	[smem:$0x3FB0] =	sst s2  }
0xb: {  	[smem:$0x3FB1] =	sst s3  }
0xc: {  	[smem:$0x3FB2] =	sst s4  }
0xd: {  	[smem:$0x3FB3] =	sst s5  }
0xe: {  	[smem:$0x3FB4] =	sst s6  }
0xf: {  	[smem:$0x3FB5] =	sst s7  }
0x10: {  	[smem:$0x3FB6] =	sst s8  }
0x11: {  	[smem:$0x3FB7] =	sst s9;
	s0 =	simm.s32 @!p0 $0x0  }
0x12: {  	s1 =	sld [smem:$0x3F9D];
	s0 =	simm.s32 @p0 $0x1  }
0x13: {  	[smem:$0x3FB8] =	sst s0;
	s0 =	simm.s32 @!p1 $0x0  }
0x14: {  	s2 =	sld [smem:$0x3F9C];
	s0 =	simm.s32 @p1 $0x1  }
0x15: {  	[smem:$0x3FB9] =	sst s0;
	s0 =	simm.s32 @!p2 $0x0  }
0x16: {  	s3 =	sld [smem:$0x3FDB];
	s0 =	simm.s32 @p2 $0x1  }
0x17: {  	s4 =	simm.s32 $0x1BF5;
	[smem:$0x3FBB] =	sst s0  }
0x18: {  	s0 =	sld [smem:$0x3F9E];
	_ =	swait.ge [sflag:s4], $0x0  }
0x19: {  	s7 =	sld [smem:$0x3F9F]  }
0x1a: {  	s8 =	sadd.s32 $0xFFFFE003, lr  }
0x1b: {  	s9 =	sadd.s32 $0xFFFFFEF7, lr;
	s5 =	simm.s32 $0xFFFFFFFF;
	p2 =	slt.u32 s8, $0xFFFFF086  }
0x1c: {  	p1 =	slt.u32 s9, $0xF7A;
	s5 =	simm.s32 @!p2 $0x0  }
0x1d: {  	s5 =	simm.s32 @p1 $0x1;
	p0 =	seq.s32 s7, s2  }
0x1e: {  	s7 =	smul.u32 @!p0 $0xF7A, s2;
	p2 =	seq.s32 @!p0 s5, $0x0  }
0x1f: {  	s9 =	smul.u32 $0xF7A, s1;
	s8 =	simm.s32 @!p0 $0x1BF5;
	p2 =	por !p2, p0  }
0x20: {  	[sflag:s8] =	ssyncset.s32 @!p0 $0xFFFFF086;
	s6 =	sadd.s32 @!p0 s3, s7;
	s7 =	simm.s32 @!p0 $0x108  }
0x21: {  	s3 =	sadd.s32 s3, s9;
	s6 =	sadd.s32 @!p0 $0x88, s6;
	s7 =	simm.s32 @p2 $0x1082  }
0x22: {  	[simem:s7], [sflag:s8] =	dma.local @!p0 [hbm:s6], $0xF7A  }
0x23: {  	s9 =	sor.u32 $0xD0000000, s2;
	s6 =	simm.s32 $0x108;
	_ =	swait.ge @!p0 [sflag:s8], $0x0  }
0x24: {  	s3 =	sadd.s32 $0x88, s3;
	s6 =	simm.s32 @!p1 $0x1082;
	[sflag:s4] =	ssyncset.s32 $0xFFFFF086  }
0x25: {  	[simem:s6], [sflag:s4] =	dma.local [hbm:s3], $0xF7A  }
0x26: {  	[smem:$0x3F9F] =	sst s1;
	(tag) =	ssettag s2;
	_ =	strace s9  }
0x27: {  	s1 =	sld [smem:$0x3FAF]  }
0x28: {  	s2 =	sld [smem:$0x3FB0]  }
0x29: {  	s4 =	sld [smem:$0x3FB2]  }
0x2a: {  	p0 =	seq.s32 s5, $0x0;
	s5 =	sld [smem:$0x3FB3]  }
0x2b: {  	s6 =	sld [smem:$0x3FB4]  }
0x2c: {  	s7 =	sld [smem:$0x3FB5]  }
0x2d: {  	s3 =	simm.s32 $0x108;
	s8 =	sld [smem:$0x3FB6]  }
0x2e: {  	s3 =	simm.s32 @!p0 $0x1082;
	s9 =	sld [smem:$0x3FB7]  }
0x2f: {  	lr =	sadd.s32 s0, s3;
	s0 =	sld [smem:$0x3FAE]  }
0x30: {  	s3 =	sld [smem:$0x3FB1]  }
0x31: {  	[smem:$0x3FBA] =	sst s10  }
0x32: {  	s10 =	sld [smem:$0x3FB8];
	_ =	sdelay $0x3  }
0x33: {  	p0 =	seq.s32 s10, $0x1;
	s10 =	sld [smem:$0x3FBA];
	_ =	sdelay $0x3  }
0x34: {  	[smem:$0x3FBA] =	sst s10  }
0x35: {  	s10 =	sld [smem:$0x3FB9];
	_ =	sdelay $0x3  }
0x36: {  	p1 =	seq.s32 s10, $0x1;
	s10 =	sld [smem:$0x3FBA];
	_ =	sdelay $0x3  }
0x37: {  	[smem:$0x3FBA] =	sst s10  }
0x38: {  	s10 =	sld [smem:$0x3FBB]  }
0x39: {  	_ = 	snop;
	(pc) =	sbr.ind lr, $3  }
0x3a: {  	_ = 	snop  }
0x3b: {  	_ = 	snop  }
0x3c: {  	p2 =	seq.s32 s10, $0x1;
	s10 =	sld [smem:$0x3FBA]  }
0x3d: {  	_ =	shalt  }
0x3e: {  	_ =	shalt  }
0x3f: {  	_ =	shalt  }
0x40: {  	_ =	shalt  }
0x41: {  	_ =	shalt  }
0x42: {  	_ =	shalt  }
0x43: {  	_ =	shalt  }
0x44: {  	_ =	shalt  }
0x45: {  	_ =	shalt  }
0x46: {  	_ =	shalt  }
0x47: {  	_ =	shalt  }
0x48: {  	_ =	shalt  }
0x49: {  	_ =	shalt  }
0x4a: {  	_ =	shalt  }
0x4b: {  	_ =	shalt  }
0x4c: {  	_ =	shalt  }
0x4d: {  	_ =	shalt  }
0x4e: {  	_ =	shalt  }
0x4f: {  	_ =	shalt  }
0x50: {  	_ =	shalt  }
0x51: {  	_ =	shalt  }
0x52: {  	_ =	shalt  }
0x53: {  	_ =	shalt  }
0x54: {  	_ =	shalt  }
0x55: {  	_ =	shalt  }
0x56: {  	_ =	shalt  }
0x57: {  	_ =	shalt  }
0x58: {  	_ =	shalt  }
0x59: {  	_ =	shalt  }
0x5a: {  	_ =	shalt  }
0x5b: {  	_ =	shalt  }
0x5c: {  	_ =	shalt  }
0x5d: {  	_ =	shalt  }
0x5e: {  	_ =	shalt  }
0x5f: {  	_ =	shalt  }
0x60: {  	_ =	shalt  }
0x61: {  	_ =	shalt  }
0x62: {  	_ =	shalt  }
0x63: {  	_ =	shalt  }
0x64: {  	_ =	shalt  }
0x65: {  	_ =	shalt  }
0x66: {  	_ =	shalt  }
0x67: {  	_ =	shalt  }
0x68: {  	_ =	shalt  }
0x69: {  	_ =	shalt  }
0x6a: {  	_ =	shalt  }
0x6b: {  	_ =	shalt  }
0x6c: {  	_ =	shalt  }
0x6d: {  	_ =	shalt  }
0x6e: {  	_ =	shalt  }
0x6f: {  	_ =	shalt  }
0x70: {  	_ =	shalt  }
0x71: {  	_ =	shalt  }
0x72: {  	_ =	shalt  }
0x73: {  	_ =	shalt  }
0x74: {  	_ =	shalt  }
0x75: {  	_ =	shalt  }
0x76: {  	_ =	shalt  }
0x77: {  	_ =	shalt  }
0x78: {  	_ =	shalt  }
0x79: {  	_ =	shalt  }
0x7a: {  	_ =	shalt  }
0x7b: {  	_ =	shalt  }
0x7c: {  	_ =	shalt  }
0x7d: {  	_ =	shalt  }
0x7e: {  	_ =	shalt  }
0x7f: {  	_ =	shalt  }
0x80: {  	_ =	shalt  }
0x81: {  	_ =	shalt  }
0x82: {  	_ =	shalt  }
0x83: {  	_ =	shalt  }
0x84: {  	_ =	shalt  }
0x85: {  	_ =	shalt  }
0x86: {  	_ =	shalt  }
0x87: {  	_ =	shalt  }
.Lfunc_end0:
.L_simem_size_0:
called_computation_lowered:
.L_overlay_start_0:
0x88: {  	s2 =	sld [smem:$0x3FD9]  }
0x89: {  	s3 =	sld [smem:$0x3FFE];
	_ =	sdelay $0x1  }
0x8a: {  	s1 =	srdreg.scid  }
0x8b: {  	s0 =	sand.u32 $0x1, s1  }
0x8c: {  	s16 =	sshll.u32 s0, $0xA;
	s2 =	sadd.s32 s3, s2  }
0x8d: {  	s2 =	sadd.s32 s2, s16  }
0x8e: {  	[smem:$0x3FC6] =	sst s2  }
0x8f: {  	_ = 	snop  }
0x90: {  	(tm) =	ssettm $0x1  }
0x91: {  	s17 =	sld [smem:$0x3FFB];
	_ =	sdelay $0x3  }
0x92: {  	_ =	strace s17  }
0x93: {  	s2 =	sld [smem:$0x3FFC];
	_ =	sdelay $0x3  }
0x94: {  	_ =	strace s2  }
0x95: {  	s2 =	sld [smem:$0x3FFD];
	_ =	sdelay $0x3  }
0x96: {  	_ =	strace s2  }
0x97: {  	_ =	strace $0x8FFFFFFF  }
0x98: {  	s18 =	sld [smem:$0x3FDB];
	_ =	sdelay $0x1  }
0x99: {  	s19 =	simm.s32 $_scs_section_size  }
0x9a: {  	s4 =	simm.s32 $_size__tile_overlayer_lowered;
	s5 =	simm.s32 $_tile_overlayer_lowered  }
0x9b: {  	s22 =	simm.s32 $0x1BFF;
	s21 =	sshll.u32 s5, $0x1;
	s2 =	sadd.s32 s19, s18  }
0x9c: {  	s6 =	simm.s32 $0x0;
	s20 =	sshll.u32 s4, $0x1;
	s4 =	sadd.s32 s21, s2  }
0x9d: {  	[timem:s6], [sflag:s22] =	dma.local [hbm:s4], s20  }
0x9e: {  	_ =	swait.ge [sflag:s22], s20  }
0x9f: {  	s3 =	ssub.s32 $0x0, s20;
	[sflag:s22] =	ssyncset.done $0x0  }
0xa0: {  	[sflag:s22] =	ssyncadd.s32 s3;
	_ =	sdelay $0x1  }
0xa1: {  	s23 =	simm.s32 $0x1B8B  }
0xa2: {  	_ =	swait.ge [sflag:s23], $0x1  }
0xa3: {  	[sflag:s23] =	ssyncset.done $0x0  }
0xa4: {  	s25 =	simm.s32 $0x1B8E;
	s24 =	sld [smem:$0x3FFE];
	[sflag:s23] =	ssyncadd.s32 $0xFFFFFFFF  }
0xa5: {  	s26 =	simm.s32 $execute0_lowered;
	[smem:$0x3FD2] =	sst s25  }
0xa6: {  	s4 =	sshll.u32 s26, $0x1;
	_ =	strace $0x80000046;
	[dreg:$0x1] =	wrdreg $0xFFFFFFFF  }
0xa7: {  	s28 =	simm.s32 $_size_execute0_lowered;
	s2 =	sadd.s32 s2, s4;
	[dreg:$0x0] =	wrdreg $0x0  }
0xa8: {  	s4 =	sshll.u32 s28, $0x1;
	[dreg:$0x2] =	wrdreg s2  }
0xa9: {  	[dreg:$0x3] =	wrdreg s4  }
0xaa: {  	[dreg:$0x4] =	wrdreg $0xC0  }
0xab: {  	_ =	task [dreg:s6], $0x5FFFF  }
0xac: {  	[dreg:$0x1] =	wrdreg $0xFFFFFFFF  }
0xad: {  	[dreg:$0x0] =	wrdreg $0x60  }
0xae: {  	[dreg:$0x2] =	wrdreg s24  }
0xaf: {  	[dreg:$0x3] =	wrdreg $0x37000  }
0xb0: {  	[dreg:$0x4] =	wrdreg $0x9  }
0xb1: {  	_ =	task.clear_ibuf [dreg:s6], $0x5FFFF;
	_ =	strace $0x90000046  }
0xb2: {  	s29 =	simm.s32 $0x9;
	_ =	strace $0x80000048  }
0xb3: {  	_ =	swait.ge [sflag:s29], $0x1  }
0xb4: {  	[sflag:s29] =	ssyncadd.s32 $0xFFFFFFFF  }
0xb5: {  	_ =	strace $0x90000048  }
0xb6: {  	_ =	sfence  }
0xb7: {  	s30 =	sld [smem:$0x0];
	_ =	sdelay $0x2  }
0xb8: {  	s31 =	sshll.u32 s1, $0xD;
	s1 =	sshrl.u32 s1, $0x2  }
0xb9: {  	s3 =	sand.u32 $0x4000, s31;
	s1 =	sadd.s32 s1, s30  }
0xba: {  	s0 =	sor.u32 s3, s0;
	s1 =	sshll.u32 s1, $0x11  }
0xbb: {  	s0 =	sor.u32 s1, s0  }
0xbc: {  	s0 =	sadd.s32 $0x8F2B, s0  }
0xbd: {  	[sflag:s0] =	ssyncadd.remote.s32 $0x1  }
0xbe: {  	_ =	sfence.sel $0xFFFF  }
0xbf: {  	[dreg:$0x0] =	wrdreg $0xFFFFFFFF;
	(pc) =	sbr.abs _section_cstart, $3  }
0xc0: {  	[dreg:$0x1] =	wrdreg $0xFFFFFFFF  }
0xc1: {  	_ =	task.clear_ibuf [dreg:s6], $0x2FFFF;
	_ =	strace $0x9FFFFFFF  }
0xc2: {  	(tm) =	ssettm $0x7FFFFFFF  }
0xc3: {  	_ =	shalt  }
tec
execute0_lowered:
.L_overlay_start_1:
0x0: {  	(tag) =	ssettag $0x1  }
0x1: {  	s0 =	rddreg [dreg:$0x0]  }
0x2: {  	s2 =	rddreg [dreg:$0x1]  }
0x3: {  	s3 =	srdreg.scid;
	s1 =	stileid.u32  }
0x4: {  	s13 =	simm.s32 $0x1;
	s14 =	simm.s32 $0x840;
	s4 =	sand.u32 $0x1, s3  }
0x5: {  	s6 =	sshrl.u32 s1, $0x2;
	s16 =	sand.u32 $0x3, s1;
	s5 =	sshll.u32 s4, $0x2  }
0x6: {  	v0 =	vimm.s32 $0xBA98FEDC;
	v1 =	vimm.s32 $0x32107654;
	s15 =	simm.s32 $0x1080;
	s12 =	smul.u32 $0x840, s16;
	s5 =	sor.u32 s6, s5  }
0x7: {  	s17 =	simm.s32 $0x2100;
	s18 =	simm.s32 $0x2940;
	v0 =	vunpack.c.l.s4.s8 v0;
	v1 =	vunpack.c.l.s4.s8 v1;
	s7 =	smul.u32 $0x8400, s5  }
0x8: {  	v2 =	vimm.s32 $0x76543210;
	v3 =	vimm.s32 $0xFEDCBA98;
	s19 =	simm.s32 $0x3180;
	s3 =	simm.s32 $0x0;
	s8 =	smul.u32 $0x2100, s5  }
0x9: {  	v4 =	vimm.s32 $0xDCFE98BA;
	s20 =	simm.s32 $0x3200;
	s21 =	simm.s32 $0x0;
	[smem:$0x7FF] =	sst s3;
	v0 =	vunpack.c.0.s8.s32 v0;
	v1 =	vunpack.c.0.s8.s32 v1  }
0xa: {  	v6 =	vimm.s32 $0x67452301;
	vm4 =	vmmov $0x1;
	v3 =	vunpack.c.l.s4.s8 v3;
	s4 =	ssub.s32 $0x2, s4;
	s7 =	sadd.s32 s12, s7;
	s8 =	sadd.s32 s12, s8  }
0xb: {  	v6 =	vunpack.c.l.s4.s8 v6;
	v2 =	vunpack.c.l.s4.s8 v2;
	s30 =	sshll.u32 s6, $0x9;
	v5 =	vcombine.low v1, v0;
	s7 =	sshrl.u32 s7, $0x3;
	s23 =	sshrl.u32 s8, $0x3  }
0xc: {  	p0 =	sne.s32 s16, $0x0;
	v0 =	vunpack.c.l.s4.s8 v4;
	v1 =	vimm.s32 $0x54761032;
	v4 =	vimm.s32 $0xEFCDAB89;
	s9 =	sadd.s32 s7, s0;
	s7 =	sadd.s32 s23, s0  }
0xd: {  	s16 =	simm.s32 $0x18C0;
	_ =	strace $0x80000047;
	v3 =	vunpack.c.0.s8.s32 v3;
	v1 =	vunpack.c.l.s4.s8 v1;
	v4 =	vunpack.c.l.s4.s8 v4;
	s25 =	sadd.s32 $0x400, s7  }
0xe: {  	s24 =	sshrl.u32 s4, $0x1;
	v6 =	vunpack.c.0.s8.s32 v6;
	v2 =	vunpack.c.0.s8.s32 v2;
	vm0 =	vcmask @!p0 $0x3F10;
	s26 =	sadd.s32 $0x2600, s9;
	[dreg:$0x3] =	wrdreg s25  }
0xf: {  	s5 =	smul.u32 $0x60, s5;
	v0 =	vunpack.c.0.s8.s32 v0;
	v1 =	vunpack.c.0.s8.s32 v1;
	v4 =	vunpack.c.0.s8.s32 v4;
	s28 =	sadd.s32 $0x2A20, s9;
	[dreg:$0x4] =	wrdreg s26  }
0x10: {  	vm1 =	vcmask @!p0 $0x3F0C;
	vm2 =	vcmask @!p0 $0x3F08;
	vm3 =	vmmov @!p0 $0x1;
	s4 =	ssub.s32 s4, s24;
	s29 =	sadd.s32 $0x2E40, s9;
	[dreg:$0x5] =	wrdreg s28  }
0x11: {  	v3 =	vand.u32 $0xF, v3;
	s0 =	sadd.s32 s5, s0;
	s31 =	sadd.s32 $0x3260, s9;
	[dreg:$0x6] =	wrdreg s29;
	v7 =	vcombine.low v1, v0;
	v6 =	vcombine.low v6, v4  }
0x12: {  	s11 =	smax.u32 s4, $0x1;
	v2 =	vcombine.low v3, v2;
	v3 =	vand.u32 $0xF, v5;
	s0 =	sadd.s32 $0xAA00, s0;
	[dreg:$0x7] =	wrdreg s31;
	v0 =	vmov s12  }
0x13: {  	s9 =	sadd.s32 s30, s2;
	[dreg:$0x8] =	wrdreg s0;
	s12 =	sadd.s32 $0x50, s12;
	v1 =	vlaneseq.u32;
	v4 =	vand.u32 $0xF, v7;
	v5 =	vand.u32 $0xF, v6  }
.LBB2_1:
0x14: {  	s0 =	rddreg [dreg:$0x3]  }
0x15: {  	[tilespmem:s3], [sflag:$0x1] =	stream.linear.gather [hbm4b:s0+s3], $0x840, $0x38;
	[tilespmem:$0x3800] =	vst v63  }
0x16: {  	_ =	swait.ge [sflag:s13], $0x840  }
0x17: {  	[sflag:s13] =	ssyncset.done $0x0  }
0x18: {  	s26 =	rddreg [dreg:$0x4];
	[sflag:s13] =	ssyncadd.s32 $0xFFFFF7C0  }
0x19: {  	[tilespmem:s14], [sflag:$0x1] =	stream.linear.gather [hbm4b:s26+s3], $0x840, $0x38;
	[tilespmem:$0x3800] =	vst v63  }
0x1a: {  	_ =	swait.ge [sflag:s13], $0x840  }
0x1b: {  	[sflag:s13] =	ssyncset.done $0x0  }
0x1c: {  	s4 =	rddreg [dreg:$0x5];
	[sflag:s13] =	ssyncadd.s32 $0xFFFFF7C0  }
0x1d: {  	[tilespmem:s15], [sflag:$0x1] =	stream.linear.gather [hbm4b:s4+s3], $0x840, $0x38;
	[tilespmem:$0x3800] =	vst v63  }
0x1e: {  	_ =	swait.ge [sflag:s13], $0x840  }
0x1f: {  	[sflag:s13] =	ssyncset.done $0x0  }
0x20: {  	s5 =	rddreg [dreg:$0x6];
	[sflag:s13] =	ssyncadd.s32 $0xFFFFF7C0  }
0x21: {  	[tilespmem:s16], [sflag:$0x1] =	stream.linear.gather [hbm4b:s5+s3], $0x840, $0x38;
	[tilespmem:$0x3800] =	vst v63  }
0x22: {  	_ =	swait.ge [sflag:s13], $0x840  }
0x23: {  	[sflag:s13] =	ssyncset.done $0x0  }
0x24: {  	s6 =	rddreg [dreg:$0x7];
	[sflag:s13] =	ssyncadd.s32 $0xFFFFF7C0  }
0x25: {  	[tilespmem:s17], [sflag:$0x1] =	stream.linear.gather [hbm4b:s6+s3], $0x840, $0x38;
	[tilespmem:$0x3800] =	vst v63  }
0x26: {  	_ =	swait.ge [sflag:s13], $0x840  }
0x27: {  	[sflag:s13] =	ssyncset.done $0x0  }
0x28: {  	s4 =	simm.s32 $0x18F0;
	[sflag:s13] =	ssyncadd.s32 $0xFFFFF7C0  }
0x29: {  	s6 =	simm.s32 $0x870;
	v6 =	vld [tilespmem:s4+$0x20]  }
0x2a: {  	s5 =	simm.s32 $0x10B0;
	v7 =	vld [tilespmem:s6+$0x20]  }
0x2b: {  	v8 =	vld [tilespmem:s5+$0x20]  }
0x2c: {  	v9 =	vld [tilespmem:s6+$0x10]  }
0x2d: {  	v10 =	vld [tilespmem:s5+$0x10]  }
0x2e: {  	v12 =	vld [tilespmem:s4+$0x10]  }
0x2f: {  	s7 =	simm.s32 $0x2130;
	v13 =	vld [tilespmem:s6+$0x0]  }
0x30: {  	v14 =	vld [tilespmem:s7+$0x10]  }
0x31: {  	v16 =	vld [tilespmem:s6+$0xFFFFFFF0]  }
0x32: {  	v18 =	vld [tilespmem:s4+$0x0]  }
0x33: {  	v22 =	vld [tilespmem:s4+$0xFFFFFFF0]  }
0x34: {  	v19 =	vld [tilespmem:s7+$0x0]  }
0x35: {  	v25 =	vld [tilespmem:s4+$0xFFFFFFE0];
	v6 =	vmul.f32 $5.000000000e-01, v6  }
0x36: {  	v24 =	vld [tilespmem:s7+$0xFFFFFFF0];
	v12 =	vmul.f32 $5.000000000e-01, v12  }
0x37: {  	v15 =	vld [tilespmem:s5+$0x0];
	v18 =	vmul.f32 $5.000000000e-01, v18;
	v23 =	vsub.f32 v7, v6  }
0x38: {  	v17 =	vld [tilespmem:s5+$0xFFFFFFF0];
	v22 =	vmul.f32 $5.000000000e-01, v22;
	v26 =	vsub.f32 v9, v12  }
0x39: {  	v11 =	vld [tilespmem:s7+$0x20];
	v14 =	vmul.f32 $5.000000000e-01, v14;
	v19 =	vmul.f32 $5.000000000e-01, v19;
	v30 =	vsub.f32 v13, v18;
	[tilespmem:s6+$0x20] =	vst v23  }
0x3a: {  	v20 =	vld [tilespmem:s6+$0xFFFFFFE0];
	v18 =	vadd.f32 v18, v13;
	v13 =	vmul.f32 $5.000000000e-01, v25;
	v25 =	vsub.f32 v16, v22;
	[tilespmem:s6+$0x10] =	vst v26  }
0x3b: {  	v29 =	vld [tilespmem:s4+$0xFFFFFFD0];
	v24 =	vmul.f32 $5.000000000e-01, v24;
	v28 =	vsub.f32 v10, v14;
	[tilespmem:s6+$0x0] =	vst v30  }
0x3c: {  	v27 =	vld [tilespmem:s7+$0xFFFFFFE0];
	v32 =	vsub.f32 v15, v19;
	[tilespmem:s6+$0xFFFFFFF0] =	vst v25  }
0x3d: {  	v31 =	vld [tilespmem:s6+$0xFFFFFFD0];
	v34 =	vsub.f32 v17, v24;
	[tilespmem:s5+$0x10] =	vst v28  }
0x3e: {  	v21 =	vld [tilespmem:s5+$0xFFFFFFE0];
	v9 =	vadd.f32 v12, v9;
	[tilespmem:s5+$0x0] =	vst v32  }
0x3f: {  	[tilespmem:s5+$0xFFFFFFF0] =	vst v34  }
0x40: {  	v29 =	vmul.f32 $5.000000000e-01, v29;
	v16 =	vadd.f32 v22, v16;
	[tilespmem:s4+$0x10] =	vst v9  }
0x41: {  	v27 =	vmul.f32 $5.000000000e-01, v27;
	v12 =	vld [tilespmem:s7+$0xFFFFFFD0];
	v35 =	vsub.f32 v20, v13;
	[tilespmem:s4+$0x0] =	vst v18  }
0x42: {  	s22 =	simm.s32 $0x1950;
	v33 =	vld [tilespmem:s5+$0xFFFFFFD0];
	v13 =	vadd.f32 v13, v20;
	v20 =	vsub.f32 v31, v29;
	[tilespmem:s4+$0xFFFFFFF0] =	vst v16  }
0x43: {  	v57 =	vld [tilespmem:s22+$0x0];
	v22 =	vsub.f32 v21, v27;
	v21 =	vadd.f32 v27, v21;
	[tilespmem:s6+$0xFFFFFFE0] =	vst v35  }
0x44: {  	v17 =	vadd.f32 v24, v17;
	v15 =	vadd.f32 v19, v15;
	[tilespmem:s6+$0xFFFFFFD0] =	vst v20  }
0x45: {  	v55 =	vimm.f32 $-Inf;
	v10 =	vadd.f32 v14, v10;
	v29 =	vadd.f32 v29, v31;
	[tilespmem:s5+$0xFFFFFFE0] =	vst v22  }
0x46: {  	v16 =	vsub.f32 v16, v25;
	v25 =	vsub.f32 v17, v34;
	v12 =	vmul.f32 $5.000000000e-01, v12;
	[tilespmem:s7+$0xFFFFFFF0] =	vst v17  }
0x47: {  	v38 =	vld [tilespmem:s22+$0x20];
	v11 =	vmul.f32 $5.000000000e-01, v11;
	v22 =	vsub.f32 v21, v22;
	[tilespmem:s4+$0xFFFFFFE0] =	vst v13;
	v13 =	vsub.f32 v13, v35  }
0x48: {  	s24 =	simm.s32 $0x8D0;
	v42 =	vld [tilespmem:s22+$0xFFFFFFD0];
	v61 =	vmul.f32 $5.000000000e-01, v57;
	[tilespmem:s7+$0x0] =	vst v15;
	v36 =	vsub.f32 v33, v12;
	v31 =	vadd.f32 v12, v33  }
0x49: {  	s28 =	simm.s32 $0x2190;
	v41 =	vld [tilespmem:s24+$0xFFFFFFF0];
	v16 =	vmax.f32 v16, $0.0e+00;
	v12 =	vsub.f32 v29, v20;
	[tilespmem:s7+$0xFFFFFFE0] =	vst v21;
	v21 =	vmax.f32 v25, $0.0e+00  }
0x4a: {  	v59 =	vld [tilespmem:s28+$0x0];
	v18 =	vsub.f32 v18, v30;
	v16 =	vmul.f32 v21, v16;
	v37 =	vsub.f32 v31, v36;
	[tilespmem:s5+$0xFFFFFFD0] =	vst v36  }
0x4b: {  	s23 =	simm.s32 $0x2970;
	v44 =	vld [tilespmem:s28+$0xFFFFFFD0];
	v22 =	vmax.f32 v22, $0.0e+00;
	v19 =	vmax.f32 v13, $0.0e+00;
	v24 =	vmax.f32 v12, $0.0e+00;
	[tilespmem:s4+$0xFFFFFFD0] =	vst v29  }
0x4c: {  	v30 =	vld [tilespmem:s24+$0x0];
	v19 =	vmul.f32 v22, v19;
	v22 =	vsub.f32 v15, v32;
	[tilespmem:s23+$0xFFFFFFF0] =	vst v16;
	v56 =	vmax.f32 v37, $0.0e+00  }
0x4d: {  	v43 =	vmul.f32 $5.000000000e-01, v42;
	v14 =	vld [tilespmem:s28+$0x20];
	v9 =	vsub.f32 v9, v26;
	[tilespmem:s7+$0xFFFFFFD0] =	vst v31;
	v24 =	vmul.f32 v56, v24  }
0x4e: {  	s26 =	simm.s32 $0x30;
	v17 =	vmax.f32 v18, $0.0e+00;
	v25 =	vld [tilespmem:s22+$0x10];
	v21 =	vsub.f32 v10, v28;
	[tilespmem:s23+$0xFFFFFFE0] =	vst v19;
	v18 =	vmax.f32 v22, $0.0e+00  }
0x4f: {  	v9 =	vmax.f32 v9, $0.0e+00;
	v22 =	vadd.f32 v6, v7;
	v16 =	vmul.f32 v18, v17;
	v26 =	vld [tilespmem:s26+$0xFFFFFFE0];
	[tilespmem:s23+$0xFFFFFFD0] =	vst v24  }
0x50: {  	[tilespmem:s7+$0x10] =	vst v10;
	v18 =	vadd.f32 v11, v8;
	v24 =	vsub.f32 v8, v11;
	v11 =	vmax.f32 v21, $0.0e+00;
	v19 =	vld [tilespmem:s26+$0xFFFFFFD0]  }
0x51: {  	v44 =	vmul.f32 $5.000000000e-01, v44;
	v33 =	vadd.f32 v61, v30;
	v29 =	vld [tilespmem:s24+$0x10];
	[tilespmem:s23+$0x0] =	vst v16;
	v15 =	vmul.f32 v11, v9  }
0x52: {  	s8 =	sadd.s32 $0xFFFFFFF0, s12;
	s30 =	sadd.s32 $0xFFFFFFB0, s12;
	v27 =	vimm.s32 $0x0;
	v20 =	vld [tilespmem:s24+$0x20];
	v16 =	vsub.f32 v22, v23;
	v17 =	vsub.f32 v18, v24;
	[tilespmem:s5+$0x20] =	vst v24  }
0x53: {  	v7 =	vor.u32 s8, v1;
	v28 =	vld [tilespmem:s26+$0xFFFFFFF0];
	v58 =	vmul.f32 $5.000000000e-01, v25;
	v11 =	vor.u32 s30, v1;
	[tilespmem:s23+$0x10] =	vst v15  }
0x54: {  	v31 =	vld [tilespmem:s26+$0x0];
	v15 =	vmax.f32 v16, $0.0e+00;
	[tilespmem:s4+$0x20] =	vst v22;
	v22 =	vmul.f32 $5.000000000e-01, v38;
	v16 =	vmax.f32 v17, $0.0e+00  }
0x55: {  	s25 =	simm.s32 $0x1110;
	vm6 =	vgt.f32 v26, $2.000000030e-01;
	v24 =	vld [tilespmem:s26+$0x10];
	v16 =	vmul.f32 v16, v15;
	vm5 =	vgt.f32 v19, $2.000000030e-01  }
0x56: {  	v13 =	vld [tilespmem:s25+$0x10];
	v25 =	vsub.f32 v29, v58;
	[tilespmem:s7+$0x20] =	vst v18;
	v26 =	vnsel vm6, $0xFF800000, v26;
	v19 =	vnsel vm5, $0xFF800000, v19  }
0x57: {  	v21 =	vld [tilespmem:s28+$0x10];
	v15 =	vmul.f32 $5.000000000e-01, v14;
	[tilespmem:s23+$0x20] =	vst v16;
	v16 =	vsub.f32 v20, v22;
	vm5 =	vgt.f32 v19, v55  }
0x58: {  	v12 =	vld [tilespmem:s25+$0x20];
	[tilespmem:s24+$0x10] =	vst v25;
	v14 =	vsel vm5, v19, v55;
	v18 =	vsel vm5, v11, v27;
	vm5 =	vgt.f32 v28, $2.000000030e-01  }
0x59: {  	v60 =	vld [tilespmem:s22+$0xFFFFFFE0];
	[tilespmem:s26+$0xFFFFFFE0] =	vst v26;
	vm6 =	vgt.f32 v26, v14;
	v27 =	vnsel vm5, $0xFF800000, v28;
	vm5 =	vgt.f32 v31, $2.000000030e-01  }
0x5a: {  	s29 =	sadd.s32 $0xFFFFFFE0, s12;
	v39 =	vld [tilespmem:s28+$0xFFFFFFE0];
	[tilespmem:s26+$0xFFFFFFD0] =	vst v19;
	v14 =	vsel vm6, v26, v14;
	v26 =	vnsel vm5, $0xFF800000, v31;
	vm5 =	vgt.f32 v24, $2.000000030e-01  }
0x5b: {  	s10 =	sadd.s32 $0xFFFFFFC0, s12;
	v8 =	vor.u32 s29, v1;
	v17 =	vld [tilespmem:s25+$0x0];
	[tilespmem:s24+$0x20] =	vst v16;
	v31 =	vnsel vm5, $0xFF800000, v24;
	vm5 =	vgt.f32 v27, v14  }
0x5c: {  	v9 =	vor.u32 s10, v1;
	v19 =	vmul.f32 $5.000000000e-01, v21;
	v28 =	vld [tilespmem:s26+$0x20];
	[tilespmem:s26+$0xFFFFFFF0] =	vst v27;
	v14 =	vsel vm5, v27, v14  }
0x5d: {  	s29 =	sadd.s32 $0xFFFFFFD0, s12;
	v21 =	vsel vm6, v9, v18;
	v18 =	vsub.f32 v12, v15;
	[tilespmem:s26+$0x0] =	vst v26;
	v27 =	vld [tilespmem:s22+$0xFFFFFFF0];
	vm6 =	vgt.f32 v26, v14  }
0x5e: {  	v10 =	vor.u32 s29, v1;
	v20 =	vadd.f32 v22, v20;
	v22 =	vld [tilespmem:s28+$0xFFFFFFF0];
	[tilespmem:s26+$0x10] =	vst v31;
	v14 =	vsel vm6, v26, v14  }
0x5f: {  	v34 =	vld [tilespmem:s24+$0xFFFFFFE0];
	v24 =	vsub.f32 v13, v19;
	v21 =	vsel vm5, v10, v21;
	[tilespmem:s25+$0x20] =	vst v18;
	vm5 =	vgt.f32 v31, v14  }
0x60: {  	v23 =	vld [tilespmem:s25+$0xFFFFFFF0];
	[tilespmem:s22+$0x20] =	vst v20;
	v26 =	vadd.f32 v58, v29;
	v62 =	vsel vm5, v31, v14;
	v31 =	vmul.f32 $5.000000000e-01, v59  }
0x61: {  	v35 =	vld [tilespmem:s24+$0xFFFFFFD0];
	[tilespmem:s25+$0x10] =	vst v24;
	v21 =	vsel vm6, v8, v21;
	vm6 =	vgt.f32 v28, $2.000000030e-01;
	v29 =	vsub.f32 v30, v61  }
0x62: {  	v38 =	vld [tilespmem:s25+$0xFFFFFFE0];
	v14 =	vnsel vm6, $0xFF800000, v28;
	[tilespmem:s22+$0x10] =	vst v26;
	v45 =	vmul.f32 $5.000000000e-01, v27;
	v28 =	vsub.f32 v17, v31  }
0x63: {  	v36 =	vmul.f32 $5.000000000e-01, v39;
	v37 =	vld [tilespmem:s25+$0xFFFFFFD0];
	v32 =	vmul.f32 $5.000000000e-01, v22;
	v63 =	vsel vm5, v7, v21;
	[tilespmem:s24+$0x0] =	vst v29  }
0x64: {  	s31 =	simm.s32 $0x2190;
	vm5 =	vgt.f32 v14, v62;
	v27 =	vmul.f32 $5.000000000e-01, v60;
	v40 =	vsub.f32 v41, v45;
	[tilespmem:s25+$0x0] =	vst v28  }
0x65: {  	s0 =	simm.s32 $0x8D0;
	s6 =	simm.s32 $0x19B0;
	v6 =	vor.u32 s12, v1;
	s29 =	sadd.s32 $0x60, s12;
	v39 =	vsub.f32 v23, v32;
	v21 =	vsel vm5, v14, v62;
	[tilespmem:s22+$0x0] =	vst v33  }
0x66: {  	s30 =	simm.s32 $0x30;
	s5 =	simm.s32 $0x1110;
	s4 =	simm.s32 $0x6;
	v22 =	vsel vm5, v6, v63;
	v42 =	vsub.f32 v34, v27;
	v41 =	vadd.f32 v45, v41;
	[tilespmem:s24+$0xFFFFFFF0] =	vst v40  }
.LBB2_2:
0x67: {  	v45 =	vld [tilespmem:s6+$0x20];
	v46 =	vsub.f32 v38, v36;
	v34 =	vadd.f32 v27, v34;
	[tilespmem:s25+$0xFFFFFFF0] =	vst v39;
	s7 =	sadd.s32 $0xFFFFFFF0, s29;
	v27 =	vor.u32 s29, v1  }
0x68: {  	v47 =	vsub.f32 v35, v43;
	s8 =	sadd.s32 $0xFFFFFFE0, s29;
	v48 =	vsub.f32 v37, v44;
	[tilespmem:s22+$0xFFFFFFF0] =	vst v41;
	v30 =	vor.u32 s7, v1  }
0x69: {  	v43 =	vadd.f32 v43, v35;
	s10 =	sadd.s32 $0xFFFFFFD0, s29;
	v44 =	vadd.f32 v44, v37;
	s7 =	sadd.s32 $0xFFFFFFC0, s29;
	v35 =	vor.u32 s8, v1;
	[tilespmem:s24+$0xFFFFFFE0] =	vst v42  }
0x6a: {  	v38 =	vadd.f32 v36, v38;
	s8 =	sadd.s32 $0xFFFFFFB0, s29;
	v50 =	vor.u32 s10, v1;
	v49 =	vor.u32 s7, v1;
	s24 =	sadd.s32 $0x60, s24;
	[tilespmem:s25+$0xFFFFFFE0] =	vst v46  }
0x6b: {  	v51 =	vsub.f32 v43, v47;
	v53 =	vor.u32 s8, v1;
	v52 =	vsub.f32 v44, v48;
	s25 =	sadd.s32 $0x60, s25;
	v36 =	vld [tilespmem:s24+$0x20];
	[tilespmem:s22+$0xFFFFFFE0] =	vst v34  }
0x6c: {  	v23 =	vadd.f32 v32, v23;
	v34 =	vsub.f32 v34, v42;
	v54 =	vld [tilespmem:s25+$0x20];
	v37 =	vmul.f32 $5.000000000e-01, v45;
	[tilespmem:s0+$0xFFFFFFD0] =	vst v47;
	s0 =	smov.u32 s24  }
0x6d: {  	v46 =	vsub.f32 v38, v46;
	v42 =	vmax.f32 v51, $0.0e+00;
	v45 =	vmax.f32 v52, $0.0e+00;
	v32 =	vld [tilespmem:s24+$0x10];
	[tilespmem:s5+$0xFFFFFFD0] =	vst v48;
	s5 =	smov.u32 s25  }
0x6e: {  	v17 =	vadd.f32 v31, v17;
	s28 =	sadd.s32 $0x60, s28;
	v40 =	vsub.f32 v41, v40;
	v42 =	vmul.f32 v45, v42;
	v47 =	vld [tilespmem:s25+$0x10];
	[tilespmem:s22+$0xFFFFFFD0] =	vst v43;
	s22 =	smov.u32 s6  }
0x6f: {  	s23 =	sadd.s32 $0x60, s23;
	v39 =	vsub.f32 v23, v39;
	v41 =	vmax.f32 v46, $0.0e+00;
	v34 =	vmax.f32 v34, $0.0e+00;
	v31 =	vld [tilespmem:s28+$0x20];
	[tilespmem:s31+$0xFFFFFFD0] =	vst v44  }
0x70: {  	v29 =	vsub.f32 v33, v29;
	v19 =	vadd.f32 v19, v13;
	s26 =	sadd.s32 $0x60, s26;
	v34 =	vmul.f32 v41, v34;
	v43 =	vld [tilespmem:s6+$0x10];
	[tilespmem:s23+$0xFFFFFFD0] =	vst v42  }
0x71: {  	v28 =	vsub.f32 v17, v28;
	v40 =	vmax.f32 v40, $0.0e+00;
	v41 =	vld [tilespmem:s26+$0xFFFFFFD0];
	[tilespmem:s31+$0xFFFFFFE0] =	vst v38;
	v38 =	vmax.f32 v39, $0.0e+00  }
0x72: {  	v25 =	vsub.f32 v26, v25;
	v26 =	vadd.f32 v15, v12;
	v33 =	vld [tilespmem:s24+$0x0];
	[tilespmem:s23+$0xFFFFFFE0] =	vst v34;
	v34 =	vmul.f32 v38, v40  }
0x73: {  	v24 =	vsub.f32 v19, v24;
	v28 =	vmax.f32 v28, $0.0e+00;
	v12 =	vmovc v54;
	v38 =	vld [tilespmem:s26+$0xFFFFFFE0];
	[tilespmem:s31+$0xFFFFFFF0] =	vst v23;
	v23 =	vmax.f32 v29, $0.0e+00;
	v13 =	vmovc v47  }
0x74: {  	v16 =	vsub.f32 v20, v16;
	v29 =	vld [tilespmem:s28+$0x10];
	v15 =	vmul.f32 $5.000000000e-01, v31;
	[tilespmem:s23+$0xFFFFFFF0] =	vst v34;
	v23 =	vmul.f32 v28, v23  }
0x75: {  	v25 =	vmax.f32 v25, $0.0e+00;
	v18 =	vsub.f32 v26, v18;
	v24 =	vmax.f32 v24, $0.0e+00;
	v20 =	vld [tilespmem:s26+$0xFFFFFFF0];
	[tilespmem:s31+$0x0] =	vst v17  }
0x76: {  	v28 =	vmul.f32 $5.000000000e-01, v43;
	v17 =	vld [tilespmem:s25+$0x0];
	vm5 =	vgt.f32 v41, $2.000000030e-01;
	[tilespmem:s23+$0x0] =	vst v23;
	v23 =	vmul.f32 v24, v25  }
0x77: {  	v16 =	vmax.f32 v16, $0.0e+00;
	v18 =	vmax.f32 v18, $0.0e+00;
	v24 =	vnsel vm5, $0xFF800000, v41;
	v25 =	vld [tilespmem:s26+$0x0];
	[tilespmem:s31+$0x10] =	vst v19  }
0x78: {  	v16 =	vmul.f32 v18, v16;
	v41 =	vld [tilespmem:s24+$0xFFFFFFF0];
	vm5 =	vgt.f32 v24, v21;
	vm6 =	vgt.f32 v38, $2.000000030e-01;
	[tilespmem:s23+$0x10] =	vst v23  }
0x79: {  	v18 =	vsel vm5, v24, v21;
	v21 =	vsel vm5, v53, v22;
	v22 =	vnsel vm6, $0xFF800000, v38;
	v31 =	vld [tilespmem:s26+$0x10];
	[tilespmem:s31+$0x20] =	vst v26;
	s31 =	smov.u32 s28  }
0x7a: {  	v19 =	vmul.f32 $5.000000000e-01, v29;
	v23 =	vld [tilespmem:s25+$0xFFFFFFF0];
	vm5 =	vgt.f32 v22, v18;
	vm6 =	vgt.f32 v20, $2.000000030e-01;
	[tilespmem:s23+$0x20] =	vst v16  }
0x7b: {  	[tilespmem:s26+$0xFFFFFFD0] =	vst v24;
	v18 =	vsel vm5, v22, v18;
	v21 =	vsel vm5, v49, v21;
	v20 =	vnsel vm6, $0xFF800000, v20;
	v24 =	vld [tilespmem:s26+$0x20]  }
0x7c: {  	v16 =	vsub.f32 v36, v37;
	v26 =	vld [tilespmem:s6+$0x0];
	[tilespmem:s26+$0xFFFFFFE0] =	vst v22;
	vm5 =	vgt.f32 v20, v18;
	vm6 =	vgt.f32 v25, $2.000000030e-01  }
0x7d: {  	v29 =	vld [tilespmem:s28+$0x0];
	[tilespmem:s26+$0xFFFFFFF0] =	vst v20;
	v20 =	vsel vm5, v20, v18;
	v21 =	vsel vm5, v50, v21;
	v22 =	vnsel vm6, $0xFF800000, v25  }
0x7e: {  	v18 =	vsub.f32 v12, v15;
	v34 =	vld [tilespmem:s24+$0xFFFFFFE0];
	[tilespmem:s26+$0x0] =	vst v22;
	vm5 =	vgt.f32 v22, v20;
	vm6 =	vgt.f32 v31, $2.000000030e-01  }
0x7f: {  	v38 =	vld [tilespmem:s25+$0xFFFFFFE0];
	v22 =	vsel vm5, v22, v20;
	v21 =	vsel vm5, v35, v21;
	v25 =	vnsel vm6, $0xFF800000, v31;
	[tilespmem:s30+$0x20] =	vst v14;
	s30 =	smov.u32 s26  }
0x80: {  	v20 =	vadd.f32 v37, v36;
	v39 =	vld [tilespmem:s6+$0xFFFFFFF0];
	[tilespmem:s26+$0x10] =	vst v25;
	vm5 =	vgt.f32 v25, v22;
	vm6 =	vgt.f32 v24, $2.000000030e-01  }
0x81: {  	v36 =	vld [tilespmem:s28+$0xFFFFFFF0];
	[tilespmem:s24+$0x20] =	vst v16;
	v22 =	vsel vm5, v25, v22;
	v30 =	vsel vm5, v30, v21;
	v14 =	vnsel vm6, $0xFF800000, v24  }
0x82: {  	v42 =	vmul.f32 $5.000000000e-01, v26;
	v25 =	vsub.f32 v32, v28;
	v40 =	vld [tilespmem:s6+$0xFFFFFFE0];
	[tilespmem:s25+$0x20] =	vst v18;
	vm5 =	vgt.f32 v14, v22  }
0x83: {  	v24 =	vsub.f32 v13, v19;
	v44 =	vld [tilespmem:s28+$0xFFFFFFE0];
	[tilespmem:s6+$0x20] =	vst v20;
	v21 =	vsel vm5, v14, v22;
	v22 =	vsel vm5, v27, v30  }
0x84: {  	s4 =	sadd.s32 $0x6, s4;
	v26 =	vadd.f32 v28, v32;
	v31 =	vmul.f32 $5.000000000e-01, v29;
	v30 =	vld [tilespmem:s6+$0xFFFFFFD0];
	[tilespmem:s24+$0x10] =	vst v25  }
0x85: {  	p1 =	slt.u32 s4, $0x7E;
	v29 =	vsub.f32 v33, v42;
	v45 =	vld [tilespmem:s28+$0xFFFFFFD0];
	[tilespmem:s25+$0x10] =	vst v24  }
.Ltmp0:
0x86: {  	v28 =	vsub.f32 v17, v31;
	v46 =	vmul.f32 $5.000000000e-01, v39;
	v35 =	vld [tilespmem:s24+$0xFFFFFFD0];
	[tilespmem:s6+$0x10] =	vst v26;
	(pc) =	sbr.rel @p1 .LBB2_2-.Ltmp0, $4  }
0x87: {  	v33 =	vadd.f32 v42, v33;
	v32 =	vmul.f32 $5.000000000e-01, v36;
	v37 =	vld [tilespmem:s25+$0xFFFFFFD0];
	[tilespmem:s24+$0x0] =	vst v29  }
0x88: {  	v27 =	vmul.f32 $5.000000000e-01, v40;
	v40 =	vsub.f32 v41, v46;
	[tilespmem:s25+$0x0] =	vst v28  }
0x89: {  	v36 =	vmul.f32 $5.000000000e-01, v44;
	v39 =	vsub.f32 v23, v32;
	v43 =	vmul.f32 $5.000000000e-01, v30;
	[tilespmem:s6+$0x0] =	vst v33  }
0x8a: {  	s29 =	sadd.s32 $0x60, s29;
	v41 =	vadd.f32 v46, v41;
	v42 =	vsub.f32 v34, v27;
	s6 =	sadd.s32 $0x60, s6;
	v44 =	vmul.f32 $5.000000000e-01, v45;
	[tilespmem:s24+$0xFFFFFFF0] =	vst v40  }
0x8b: {  	v30 =	vsub.f32 v38, v36;
	[tilespmem:s25+$0xFFFFFFF0] =	vst v39  }
0x8c: {  	v58 =	vsub.f32 v35, v43;
	v59 =	vadd.f32 v43, v35;
	[tilespmem:s22+$0xFFFFFFF0] =	vst v41  }
0x8d: {  	v45 =	vsub.f32 v37, v44;
	v60 =	vadd.f32 v44, v37;
	[tilespmem:s24+$0xFFFFFFE0] =	vst v42  }
0x8e: {  	v27 =	vadd.f32 v27, v34;
	v61 =	vadd.f32 v36, v38;
	[tilespmem:s25+$0xFFFFFFE0] =	vst v30  }
0x8f: {  	v62 =	vsub.f32 v59, v58;
	[tilespmem:s0+$0xFFFFFFD0] =	vst v58;
	v63 =	vsub.f32 v60, v45  }
0x90: {  	v23 =	vadd.f32 v32, v23;
	v30 =	vsub.f32 v61, v30;
	[tilespmem:s22+$0xFFFFFFE0] =	vst v27  }
0x91: {  	v27 =	vsub.f32 v27, v42;
	[tilespmem:s5+$0xFFFFFFD0] =	vst v45;
	v42 =	vmax.f32 v62, $0.0e+00;
	v44 =	vmax.f32 v63, $0.0e+00  }
0x92: {  	v17 =	vadd.f32 v31, v17;
	v46 =	vsub.f32 v23, v39;
	[tilespmem:s22+$0xFFFFFFD0] =	vst v59;
	v32 =	vmul.f32 v44, v42  }
0x93: {  	s4 =	sadd.s32 $0x60, s23;
	v45 =	vsub.f32 v41, v40;
	v30 =	vmax.f32 v30, $0.0e+00;
	[tilespmem:s31+$0xFFFFFFD0] =	vst v60;
	v27 =	vmax.f32 v27, $0.0e+00  }
0x94: {  	v29 =	vsub.f32 v33, v29;
	v13 =	vadd.f32 v19, v13;
	s23 =	sadd.s32 $0x60, s26;
	v27 =	vmul.f32 v30, v27;
	[tilespmem:s4+$0xFFFFFFD0] =	vst v32  }
0x95: {  	v28 =	vsub.f32 v17, v28;
	[tilespmem:s31+$0xFFFFFFE0] =	vst v61;
	v31 =	vmax.f32 v46, $0.0e+00;
	v48 =	vmax.f32 v45, $0.0e+00;
	v47 =	vld [tilespmem:s23+$0xFFFFFFD0]  }
0x96: {  	v25 =	vsub.f32 v26, v25;
	v12 =	vadd.f32 v15, v12;
	v49 =	vmul.f32 v31, v48;
	[tilespmem:s4+$0xFFFFFFE0] =	vst v27  }
0x97: {  	[tilespmem:s31+$0xFFFFFFF0] =	vst v23;
	v50 =	vmax.f32 v29, $0.0e+00;
	v24 =	vsub.f32 v13, v24;
	v51 =	vmax.f32 v28, $0.0e+00;
	v15 =	vld [tilespmem:s23+$0xFFFFFFE0]  }
0x98: {  	v16 =	vsub.f32 v20, v16;
	v23 =	vmul.f32 v51, v50;
	[tilespmem:s4+$0xFFFFFFF0] =	vst v49  }
0x99: {  	[tilespmem:s31+$0x0] =	vst v17;
	v53 =	vmax.f32 v25, $0.0e+00;
	v18 =	vsub.f32 v12, v18;
	v24 =	vmax.f32 v24, $0.0e+00;
	v52 =	vld [tilespmem:s23+$0xFFFFFFF0]  }
0x9a: {  	v17 =	vmul.f32 v24, v53;
	[tilespmem:s4+$0x0] =	vst v23;
	vm5 =	vgt.f32 v47, $2.000000030e-01  }
0x9b: {  	[tilespmem:s31+$0x10] =	vst v13;
	v13 =	vmax.f32 v16, $0.0e+00;
	v54 =	vmax.f32 v18, $0.0e+00;
	v23 =	vld [tilespmem:s23+$0x0];
	v19 =	vnsel vm5, $0xFF800000, v47  }
0x9c: {  	s24 =	sadd.s32 $0xFFFFFFB0, s29;
	v13 =	vmul.f32 v54, v13;
	[tilespmem:s4+$0x10] =	vst v17;
	vm6 =	vgt.f32 v15, $2.000000030e-01;
	vm5 =	vgt.f32 v19, v21  }
0x9d: {  	v55 =	vor.u32 s24, v1;
	[tilespmem:s31+$0x20] =	vst v12;
	v57 =	vld [tilespmem:s23+$0x10];
	v15 =	vnsel vm6, $0xFF800000, v15;
	v56 =	vsel vm5, v19, v21  }
0x9e: {  	s25 =	sadd.s32 $0xFFFFFFC0, s29;
	[tilespmem:s4+$0x20] =	vst v13;
	vm6 =	vgt.f32 v52, $2.000000030e-01;
	v12 =	vsel vm5, v55, v22;
	vm5 =	vgt.f32 v15, v56  }
0x9f: {  	v13 =	vor.u32 s25, v1;
	v60 =	vld [tilespmem:s23+$0x20];
	v59 =	vnsel vm6, $0xFF800000, v52;
	v58 =	vsel vm5, v15, v56  }
0xa0: {  	s26 =	sadd.s32 $0xFFFFFFD0, s29;
	vm6 =	vgt.f32 v23, $2.000000030e-01;
	v12 =	vsel vm5, v13, v12;
	vm5 =	vgt.f32 v59, v58  }
0xa1: {  	[tilespmem:s30+$0x20] =	vst v14;
	v61 =	vnsel vm6, $0xFF800000, v23;
	v13 =	vor.u32 s26, v1;
	v16 =	vsel vm5, v59, v58  }
0xa2: {  	s28 =	sadd.s32 $0xFFFFFFE0, s29;
	[tilespmem:s23+$0xFFFFFFD0] =	vst v19;
	vm6 =	vgt.f32 v57, $2.000000030e-01;
	v12 =	vsel vm5, v13, v12;
	vm5 =	vgt.f32 v61, v16  }
0xa3: {  	[tilespmem:s23+$0xFFFFFFE0] =	vst v15;
	v62 =	vnsel vm6, $0xFF800000, v57;
	v13 =	vor.u32 s28, v1;
	v15 =	vsel vm5, v61, v16  }
0xa4: {  	s31 =	sadd.s32 $0xFFFFFFF0, s29;
	[tilespmem:s23+$0xFFFFFFF0] =	vst v59;
	vm6 =	vgt.f32 v60, $2.000000030e-01;
	v12 =	vsel vm5, v13, v12;
	vm5 =	vgt.f32 v62, v15  }
0xa5: {  	[tilespmem:s23+$0x0] =	vst v61;
	v13 =	vor.u32 s31, v1;
	v14 =	vsel vm5, v62, v15;
	v15 =	vnsel vm6, $0xFF800000, v60  }
0xa6: {  	v63 =	vor.u32 s29, v1;
	[tilespmem:s23+$0x10] =	vst v62;
	v13 =	vsel vm5, v13, v12;
	vm5 =	vgt.f32 v15, v14  }
0xa7: {  	s22 =	simm.s32 $0x0;
	[tilespmem:s23+$0x20] =	vst v15;
	v12 =	vsel vm5, v15, v14;
	v13 =	vsel vm5, v63, v13  }
.LBB2_4:
0xa8: {  	v14 =	vperm.xlane v12, v2;
	_ =	sdelay $0x1  }
0xa9: {  	v14 =	vmax.f32 v12, v14  }
0xaa: {  	v15 =	vperm.xlane v14, v3;
	_ =	sdelay $0x1  }
0xab: {  	v14 =	vmax.f32 v14, v15  }
0xac: {  	v15 =	vperm.xlane v14, v4;
	_ =	sdelay $0x1  }
0xad: {  	v14 =	vmax.f32 v14, v15  }
0xae: {  	v15 =	vperm.xlane v14, v5;
	_ =	sdelay $0x1  }
0xaf: {  	v14 =	vmax.f32 v14, v15  }
0xb0: {  	vm5 =	veq.f32 v12, v14  }
0xb1: {  	v12 =	vnsel vm5, $0x7FFFFFFF, v13  }
0xb2: {  	v13 =	vperm.xlane v12, v2;
	_ =	sdelay $0x1  }
0xb3: {  	vm5 =	vlt.s32 v12, v13  }
0xb4: {  	v12 =	vsel vm5, v12, v13  }
0xb5: {  	v13 =	vperm.xlane v12, v3;
	_ =	sdelay $0x1  }
0xb6: {  	vm5 =	vlt.s32 v12, v13  }
0xb7: {  	v12 =	vsel vm5, v12, v13  }
0xb8: {  	v13 =	vperm.xlane v12, v4;
	_ =	sdelay $0x1  }
0xb9: {  	vm5 =	vlt.s32 v12, v13  }
0xba: {  	v12 =	vsel vm5, v12, v13  }
0xbb: {  	v13 =	vperm.xlane v12, v5;
	_ =	sdelay $0x1  }
0xbc: {  	vm5 =	vlt.s32 v12, v13  }
0xbd: {  	v12 =	vsel vm5, v12, v13  }
0xbe: {  	v13 =	vsub.s32 v12, v0  }
0xbf: {  	vm5 =	vgt.s32 v13, $0x0  }
0xc0: {  	v13 =	vnsel vm5, $0x0, v13  }
0xc1: {  	v13 =	vmin.u32 v13, $0x83F;
	_ =	sdelay $0x4  }
0xc2: {  	v15 =	vld.idx.msk [tilespmem:v13+s14+$0x0], $0xffff  }
0xc3: {  	v16 =	vld.idx.msk [tilespmem:v13+s15+$0x0], $0xffff  }
0xc4: {  	v17 =	vld.idx.msk [tilespmem:v13+s16+$0x0], $0xffff  }
0xc5: {  	v18 =	vld.idx.msk [tilespmem:v13+s17+$0x0], $0xffff  }
0xc6: {  	v13 =	vld.idx.msk [tilespmem:v13+s18+$0x0], $0xffff;
	[tilespmem:$0x3180] =	vst v14  }
0xc7: {  	[tilespmem:$0x3190] =	vst v12  }
0xc8: {  	s0 =	sshll.u32 s22, $0x4;
	[tilespmem:$0x31A0] =	vst v15  }
0xc9: {  	s0 =	sand.u32 $0x10, s0;
	[tilespmem:$0x31B0] =	vst v16  }
0xca: {  	s4 =	sor.u32 s1, s0;
	[tilespmem:$0x31C0] =	vst v17  }
0xcb: {  	s4 =	sshll.u32 s4, $0x7;
	[tilespmem:$0x31D0] =	vst v18  }
0xcc: {  	s4 =	sadd.s32 s4, s2;
	[tilespmem:$0x31E0] =	vst v13  }
0xcd: {  	[spmem:s4] =	stream.linear.scatter [tilespmem:s19], [sflag:$0x1], $0x80, $0x38;
	[tilespmem:$0x3800] =	vst v63  }
0xce: {  	_ =	swait.ge [sflag:s13], $0x80  }
0xcf: {  	[sflag:s13] =	ssyncset.done $0x0  }
0xd0: {  	s0 =	sshll.u32 s0, $0x7;
	[sflag:s13] =	ssyncadd.s32 $0xFFFFFF80  }
0xd1: {  	s0 =	sadd.s32 s0, s9;
	[bflag:$0x0] =	sbarrier.arrive $0xFFFF  }
0xd2: {  	[tilespmem:s20], [sflag:$0x1] =	stream.linear.gather [spmem:s0], $0x200, $0x38;
	[tilespmem:$0x3800] =	vst v63  }
0xd3: {  	_ =	swait.ge [sflag:s13], $0x200  }
0xd4: {  	[sflag:s13] =	ssyncset.done $0x0  }
0xd5: {  	[sflag:s13] =	ssyncadd.s32 $0xFFFFFE00  }
0xd6: {  	v12 =	vld [tilespmem:$0x3200]  }
0xd7: {  	v13 =	vld [tilespmem:$0x3210]  }
0xd8: {  	v14 =	vld [tilespmem:$0x3220]  }
0xd9: {  	v15 =	vld [tilespmem:$0x3230]  }
0xda: {  	v16 =	vld [tilespmem:$0x3240]  }
0xdb: {  	v17 =	vld [tilespmem:$0x3250]  }
0xdc: {  	v18 =	vld [tilespmem:$0x3280]  }
0xdd: {  	v19 =	vld [tilespmem:$0x3290]  }
0xde: {  	v20 =	vld [tilespmem:$0x32A0]  }
0xdf: {  	v21 =	vld [tilespmem:$0x32B0]  }
0xe0: {  	v22 =	vld [tilespmem:$0x32C0]  }
0xe1: {  	v23 =	vld [tilespmem:$0x32D0]  }
0xe2: {  	v24 =	vld [tilespmem:$0x3300]  }
0xe3: {  	v25 =	vld [tilespmem:$0x3310]  }
0xe4: {  	v26 =	vld [tilespmem:$0x3320]  }
0xe5: {  	v27 =	vld [tilespmem:$0x3380]  }
0xe6: {  	v28 =	vld [tilespmem:$0x3390]  }
0xe7: {  	v29 =	vld [tilespmem:$0x3330]  }
0xe8: {  	v30 =	vld [tilespmem:$0x3340]  }
0xe9: {  	v31 =	vld [tilespmem:$0x3350];
	vm5 =	veq.f32 v12, v18;
	vm6 =	vlt.s32 v13, v19  }
0xea: {  	v32 =	vld [tilespmem:$0x33A0];
	vm7 =	vgt.f32 v12, v18;
	vm5 =	vmand vm5, vm6  }
0xeb: {  	v33 =	vld [tilespmem:$0x33B0];
	vm6 =	veq.f32 v24, v27;
	vm5 =	vmor vm7, vm5;
	vm7 =	vlt.s32 v25, v28  }
0xec: {  	vm8 =	vgt.f32 v24, v27;
	v18 =	vsel vm5, v12, v18;
	v12 =	vld [tilespmem:$0x33C0];
	vm6 =	vmand vm6, vm7  }
0xed: {  	v13 =	vsel vm5, v13, v19;
	v14 =	vsel vm5, v14, v20;
	v19 =	vld [tilespmem:$0x33D0];
	vm6 =	vmor vm8, vm6  }
0xee: {  	v15 =	vsel vm5, v15, v21;
	v20 =	vsel vm6, v24, v27;
	v21 =	vsel vm6, v25, v28  }
0xef: {  	v16 =	vsel vm5, v16, v22;
	vm7 =	veq.f32 v18, v20;
	vm13 =	vlt.s32 v13, v21  }
0xf0: {  	v17 =	vsel vm5, v17, v23;
	vm9 =	vgt.f32 v18, v20;
	vm7 =	vmand vm7, vm13  }
0xf1: {  	v22 =	vsel vm6, v26, v32;
	v23 =	vsel vm6, v29, v33;
	vm7 =	vmor vm9, vm7  }
0xf2: {  	v24 =	vsel vm6, v30, v12;
	v19 =	vsel vm6, v31, v19;
	v21 =	vsel vm7, v13, v21  }
0xf3: {  	v12 =	vsel vm7, v14, v22;
	v13 =	vsel vm7, v17, v19;
	v17 =	vsel @!p0 vm7, v18, v20  }
0xf4: {  	s0 =	smul.u32 @!p0 $0x5, s22;
	v14 =	vsel vm7, v16, v24;
	v19 =	vlaneseq.u32 @!p0;
	v18 =	vsub.s32 v21, v0  }
0xf5: {  	v16 =	vsel @!p0 vm0, v17, v13;
	vm14 =	vlt.u32 v18, $0x840;
	vm15 =	vgt.s32 v18, $0x0  }
0xf6: {  	v19 =	vadd.s32 @!p0 s0, v19;
	vm8 =	vmand vm14, vm4;
	v18 =	vnsel vm15, $0x0, v18  }
0xf7: {  	v15 =	vsel vm7, v15, v23;
	v16 =	vsel @!p0 vm1, v16, v14;
	v18 =	vmin.u32 v18, $0x83F  }
0xf8: {  	v20 =	vld [tilespmem:$0x3260];
	vm9 =	vlt.f32 @!p0 v17, $-Inf;
	vm10 =	vgt.f32 @!p0 v17, $-Inf;
	v16 =	vsel @!p0 vm2, v16, v15  }
0xf9: {  	v22 =	vld [tilespmem:$0x33E0];
	vm9 =	vmor @!p0 vm10, vm9;
	v16 =	vsel @!p0 vm3, v12, v16  }
0xfa: {  	v21 =	vld [tilespmem:$0x32E0];
	s0 =	simm.s32 @!p0 $0x3400;
	v16 =	vnsel @!p0 vm9, $0x0, v16  }
0xfb: {  	v17 =	vld [tilespmem:$0x3360];
	[tilespmem:v19+s0+$0x0] =	vst.idx.msk @!p0 $0x1f, v16;
	v19 =	vimm.f32 $-Inf  }
0xfc: {  	s25 =	simm.s32 $0x2970;
	[tilespmem:v18+s3+$0x0] =	vst.idx.msk vm8, v19  }
0xfd: {  	v18 =	vld [tilespmem:s25+$0x10]  }
0xfe: {  	s26 =	simm.s32 $0x870;
	v23 =	vld [tilespmem:s25+$0x0]  }
0xff: {  	s5 =	simm.s32 $0x10B0;
	v24 =	vld [tilespmem:s26+$0x20]  }
0x100: {  	s6 =	simm.s32 $0x18F0;
	v25 =	vld [tilespmem:s5+$0x20]  }
0x101: {  	s7 =	simm.s32 $0x2130;
	v26 =	vld [tilespmem:s6+$0x20]  }
0x102: {  	v27 =	vld [tilespmem:s7+$0x20]  }
0x103: {  	v29 =	vld [tilespmem:s26+$0x10]  }
0x104: {  	v30 =	vld [tilespmem:s5+$0x10]  }
0x105: {  	v31 =	vld [tilespmem:s6+$0x10]  }
0x106: {  	v49 =	vld [tilespmem:s7+$0x10]  }
0x107: {  	v50 =	vld [tilespmem:s25+$0xFFFFFFE0]  }
0x108: {  	v34 =	vld [tilespmem:s26+$0x0]  }
0x109: {  	v35 =	vld [tilespmem:s5+$0x0]  }
0x10a: {  	v36 =	vld [tilespmem:s6+$0x0]  }
0x10b: {  	v37 =	vld [tilespmem:s7+$0x0]  }
0x10c: {  	v38 =	vld [tilespmem:s25+$0xFFFFFFD0]  }
0x10d: {  	v39 =	vld [tilespmem:s26+$0xFFFFFFF0]  }
0x10e: {  	v40 =	vld [tilespmem:s5+$0xFFFFFFF0]  }
0x10f: {  	v16 =	vsel vm5, v20, v21;
	v17 =	vsel vm6, v17, v22;
	v20 =	vld [tilespmem:s6+$0xFFFFFFF0]  }
0x110: {  	v16 =	vsel vm7, v16, v17;
	v17 =	vld [tilespmem:s7+$0xFFFFFFF0]  }
0x111: {  	v21 =	vld [tilespmem:s26+$0xFFFFFFE0];
	v18 =	vadd.f32 v18, v16  }
0x112: {  	v41 =	vld [tilespmem:s26+$0xFFFFFFD0];
	v22 =	vadd.f32 v23, v16;
	v23 =	vmax.f32 v12, v24;
	v24 =	vmax.f32 v15, v25  }
0x113: {  	v42 =	vld [tilespmem:s5+$0xFFFFFFD0];
	v26 =	vmin.f32 v14, v26;
	v27 =	vmin.f32 v13, v27;
	v29 =	vmax.f32 v12, v29  }
0x114: {  	v43 =	vld [tilespmem:s6+$0xFFFFFFD0];
	v30 =	vmax.f32 v15, v30;
	v31 =	vmin.f32 v14, v31;
	v33 =	vadd.f32 v50, v16  }
0x115: {  	v44 =	vld [tilespmem:s7+$0xFFFFFFD0];
	v32 =	vmin.f32 v13, v49;
	v34 =	vmax.f32 v12, v34;
	v35 =	vmax.f32 v15, v35  }
0x116: {  	v45 =	vld [tilespmem:s6+$0xFFFFFFE0];
	v36 =	vmin.f32 v14, v36;
	v37 =	vmin.f32 v13, v37;
	v38 =	vadd.f32 v38, v16  }
0x117: {  	v46 =	vld [tilespmem:s7+$0xFFFFFFE0];
	v39 =	vmax.f32 v12, v39;
	v40 =	vmax.f32 v15, v40;
	v21 =	vmax.f32 v12, v21  }
0x118: {  	v20 =	vmin.f32 v14, v20;
	v41 =	vmax.f32 v12, v41;
	v42 =	vmax.f32 v15, v42  }
0x119: {  	v25 =	vld [tilespmem:s5+$0xFFFFFFE0];
	v43 =	vmin.f32 v14, v43;
	v23 =	vsub.f32 v26, v23;
	v24 =	vsub.f32 v27, v24  }
0x11a: {  	v26 =	vmin.f32 v13, v44;
	v27 =	vsub.f32 v31, v29;
	v29 =	vsub.f32 v32, v30  }
0x11b: {  	v17 =	vmin.f32 v13, v17;
	v30 =	vsub.f32 v43, v41;
	v26 =	vsub.f32 v26, v42  }
0x11c: {  	v51 =	vmin.f32 v13, v46;
	v31 =	vmin.f32 v14, v45;
	v20 =	vsub.f32 v20, v39  }
0x11d: {  	s30 =	simm.s32 $0x30;
	v28 =	vld [tilespmem:s25+$0xFFFFFFF0];
	v17 =	vsub.f32 v17, v40;
	v30 =	vmax.f32 v30, $0.0e+00;
	v26 =	vmax.f32 v26, $0.0e+00  }
0x11e: {  	v52 =	vld [tilespmem:s30+$0x20];
	v21 =	vsub.f32 v31, v21;
	v25 =	vmax.f32 v15, v25;
	v26 =	vmul.f32 v26, v30  }
0x11f: {  	v53 =	vld [tilespmem:s30+$0x10];
	v20 =	vmax.f32 v20, $0.0e+00;
	v17 =	vmax.f32 v17, $0.0e+00;
	v25 =	vsub.f32 v51, v25  }
0x120: {  	v55 =	vld [tilespmem:s25+$0x20];
	v21 =	vmax.f32 v21, $0.0e+00;
	v20 =	vmul.f32 v17, v20;
	v54 =	vsub.f32 v38, v26  }
0x121: {  	s31 =	simm.s32 $0x29D0;
	v56 =	vld [tilespmem:s30+$0xFFFFFFD0];
	v17 =	vmax.f32 v27, $0.0e+00;
	v27 =	vmax.f32 v29, $0.0e+00;
	v25 =	vmax.f32 v25, $0.0e+00  }
0x122: {  	v57 =	vld [tilespmem:s31+$0x0];
	v30 =	vsub.f32 v37, v35;
	v21 =	vmul.f32 v25, v21;
	v35 =	vadd.f32 $9.999999710e-10, v54  }
0x123: {  	s23 =	simm.s32 $0x8D0;
	v61 =	vld [tilespmem:s31+$0xFFFFFFE0];
	v28 =	vadd.f32 v28, v16;
	v31 =	vsub.f32 v36, v34;
	v27 =	vmul.f32 v27, v17  }
0x124: {  	s24 =	simm.s32 $0x1110;
	v63 =	vld [tilespmem:s23+$0x0];
	v17 =	vmax.f32 v23, $0.0e+00;
	v33 =	vsub.f32 v33, v21;
	(erf) = vrcp.f32 v35  }
0x125: {  	v48 =	vld [tilespmem:s24+$0xFFFFFFF0];
	v28 =	vsub.f32 v28, v20;
	v30 =	vmax.f32 v30, $0.0e+00;
	v25 =	vmax.f32 v31, $0.0e+00  }
0x126: {  	v50 =	vld [tilespmem:s23+$0xFFFFFFD0];
	v23 =	vmax.f32 v24, $0.0e+00;
	v25 =	vmul.f32 v30, v25;
	v30 =	vadd.f32 $9.999999710e-10, v33  }
0x127: {  	v29 =	vld [tilespmem:s31+$0x10];
	v23 =	vmul.f32 v23, v17;
	v18 =	vsub.f32 v18, v27;
	v28 =	vadd.f32 $9.999999710e-10, v28  }
0x128: {  	v24 =	vld [tilespmem:s23+$0x20];
	v17 =	vadd.f32 v55, v16;
	v22 =	vsub.f32 v22, v25;
	(erf) = vrcp.f32 v30  }
0x129: {  	s26 =	simm.s32 $0x2190;
	v18 =	vadd.f32 $9.999999710e-10, v18;
	v30 =	vld [tilespmem:s24+$0x20];
	(erf) = vrcp.f32 v28  }
0x12a: {  	v17 =	vsub.f32 v17, v23;
	v22 =	vadd.f32 $9.999999710e-10, v22;
	v28 =	vld [tilespmem:s26+$0x20]  }
0x12b: {  	v37 =	vld [tilespmem:s24+$0x0]  }
0x12c: {  	v38 =	vld [tilespmem:s24+$0x10];
	v17 =	vadd.f32 $9.999999710e-10, v17;
	(erf) = vrcp.f32 v22  }
0x12d: {  	v22 =	vld [tilespmem:s23+$0x10];
	(erf) = vrcp.f32 v18;
	v18 =	vpop (erf)  }
0x12e: {  	(erf) = vrcp.f32 v17;
	v17 =	vadd.f32 v29, v16;
	v29 =	vld [tilespmem:s30+$0xFFFFFFF0];
	v18 =	vmul.f32 v18, v26  }
0x12f: {  	v59 =	vimm.s32 $0x0;
	v30 =	vmax.f32 v15, v30;
	v26 =	vld [tilespmem:s30+$0xFFFFFFE0];
	v28 =	vmin.f32 v13, v28  }
0x130: {  	v50 =	vmax.f32 v12, v50;
	v30 =	vsub.f32 v28, v30;
	v28 =	vld [tilespmem:s24+$0xFFFFFFD0];
	vm5 =	vgt.f32 v18, $6.999999880e-01  }
0x131: {  	v24 =	vmax.f32 v12, v24;
	v37 =	vmax.f32 v15, v37;
	v60 =	vpop (erf);
	v33 =	vsel vm5, $0xFF800000, v56;
	v56 =	vld [tilespmem:s26+$0x0]  }
0x132: {  	v22 =	vmax.f32 v12, v22;
	v18 =	vadd.f32 v57, v16;
	v57 =	vld [tilespmem:s31+$0xFFFFFFD0];
	v21 =	vmul.f32 v60, v21;
	v62 =	vpop (erf)  }
0x133: {  	s25 =	simm.s32 $0x1950;
	v54 =	vld [tilespmem:s26+$0xFFFFFFE0];
	vm5 =	vgt.f32 v33, v19;
	v60 =	vmax.f32 v15, v38;
	v20 =	vmul.f32 v62, v20  }
0x134: {  	v58 =	vld [tilespmem:s25+$0x20];
	v19 =	vsel vm5, v33, v19;
	v62 =	vmax.f32 v12, v63;
	vm6 =	vgt.f32 v21, $6.999999880e-01  }
0x135: {  	v39 =	vld [tilespmem:s25+$0x10];
	v28 =	vmax.f32 v15, v28;
	v26 =	vsel vm6, $0xFF800000, v26;
	vm7 =	vgt.f32 v20, $6.999999880e-01  }
0x136: {  	v31 =	vld [tilespmem:s30+$0x0];
	v21 =	vpop (erf);
	vm6 =	vgt.f32 v26, v19;
	v40 =	vsel vm7, $0xFF800000, v29;
	v55 =	vmin.f32 v13, v56  }
0x137: {  	v41 =	vld [tilespmem:s26+$0x10];
	v56 =	vadd.f32 v57, v16;
	v57 =	vmax.f32 v15, v48;
	v20 =	vmul.f32 v21, v25  }
0x138: {  	v44 =	vld [tilespmem:s25+$0x0];
	[tilespmem:s30+$0xFFFFFFE0] =	vst v26;
	v21 =	vsel vm5, v11, v59;
	v19 =	vsel vm6, v26, v19;
	v26 =	vmin.f32 v13, v54  }
0x139: {  	v36 =	vld [tilespmem:s31+$0xFFFFFFF0];
	v25 =	vpop (erf);
	v34 =	vsub.f32 v55, v37;
	vm5 =	vgt.f32 v40, v19;
	v21 =	vsel vm6, v9, v21  }
0x13a: {  	v63 =	vld [tilespmem:s25+$0xFFFFFFE0];
	vm7 =	vgt.f32 v20, $6.999999880e-01;
	v20 =	vmul.f32 v25, v27;
	v19 =	vsel vm5, v40, v19  }
0x13b: {  	v59 =	vld [tilespmem:s26+$0xFFFFFFF0];
	v25 =	vpop (erf);
	v21 =	vsel vm5, v10, v21;
	v47 =	vsel vm7, $0xFF800000, v31;
	v31 =	vmin.f32 v14, v39  }
0x13c: {  	v27 =	vld [tilespmem:s23+$0xFFFFFFF0];
	vm6 =	vgt.f32 v47, v19;
	vm7 =	vgt.f32 v20, $6.999999880e-01;
	v20 =	vmul.f32 v25, v23  }
0x13d: {  	v25 =	vmin.f32 v14, v58;
	v58 =	vld [tilespmem:s25+$0xFFFFFFF0];
	v19 =	vsel vm6, v47, v19;
	v49 =	vsel vm7, $0xFF800000, v53  }
0x13e: {  	v31 =	vsub.f32 v31, v22;
	v22 =	vld [tilespmem:s26+$0xFFFFFFD0];
	vm5 =	vgt.f32 v49, v19;
	vm7 =	vgt.f32 v20, $6.999999880e-01  }
0x13f: {  	v20 =	vsel vm6, v8, v21;
	v19 =	vsel vm5, v49, v19;
	v51 =	vsel vm7, $0xFF800000, v52;
	v52 =	vld [tilespmem:s25+$0xFFFFFFD0]  }
0x140: {  	v29 =	vsub.f32 v25, v24;
	v24 =	vld [tilespmem:s24+$0xFFFFFFE0];
	v21 =	vsel vm5, v7, v20;
	vm5 =	vgt.f32 v51, v19  }
0x141: {  	v25 =	vadd.f32 v61, v16;
	v61 =	vmin.f32 v13, v41;
	v20 =	vsel vm5, v51, v19;
	v19 =	vld [tilespmem:s23+$0xFFFFFFE0]  }
0x142: {  	v23 =	vadd.f32 v36, v16;
	v53 =	vmin.f32 v14, v44;
	v32 =	vsub.f32 v61, v60  }
0x143: {  	v60 =	vsub.f32 v53, v62;
	v27 =	vmax.f32 v12, v27;
	v35 =	vmin.f32 v14, v58  }
0x144: {  	v58 =	vmin.f32 v13, v59;
	v22 =	vmin.f32 v13, v22;
	v52 =	vmin.f32 v14, v52  }
0x145: {  	v24 =	vmax.f32 v15, v24;
	v22 =	vsub.f32 v22, v28;
	v39 =	vsub.f32 v52, v50  }
0x146: {  	s28 =	simm.s32 $0x90;
	[tilespmem:s30+$0xFFFFFFD0] =	vst v33;
	v33 =	vld [tilespmem:s31+$0x20];
	v28 =	vmin.f32 v14, v63;
	v62 =	vsub.f32 v26, v24;
	v19 =	vmax.f32 v12, v19  }
0x147: {  	[tilespmem:s30+$0xFFFFFFF0] =	vst v40;
	v24 =	vld [tilespmem:s28+$0x0];
	v61 =	vmax.f32 v22, $0.0e+00;
	v59 =	vsub.f32 v28, v19;
	v28 =	vmax.f32 v39, $0.0e+00  }
0x148: {  	[tilespmem:s30+$0x0] =	vst v47;
	v36 =	vmax.f32 v60, $0.0e+00;
	v35 =	vsub.f32 v35, v27;
	v26 =	vld [tilespmem:s28+$0xFFFFFFD0];
	v28 =	vmul.f32 v61, v28  }
0x149: {  	[tilespmem:s30+$0x10] =	vst v49;
	v38 =	vsub.f32 v58, v57;
	v22 =	vld [tilespmem:s28+$0x10];
	v63 =	vmax.f32 v62, $0.0e+00;
	v27 =	vmax.f32 v59, $0.0e+00  }
0x14a: {  	s29 =	smov.u32 s12;
	s4 =	simm.s32 $0x2A30;
	s0 =	simm.s32 $0x6;
	[tilespmem:s30+$0x20] =	vst v51;
	v21 =	vsel vm5, v6, v21;
	v19 =	vld [tilespmem:s28+$0x20];
	v37 =	vsub.f32 v56, v28;
	v27 =	vmul.f32 v63, v27  }
.LBB2_5:
0x14b: {  	v39 =	vld [tilespmem:s4+$0x10];
	v35 =	vmax.f32 v35, $0.0e+00;
	v38 =	vmax.f32 v38, $0.0e+00;
	v34 =	vmax.f32 v34, $0.0e+00  }
0x14c: {  	s23 =	sadd.s32 $0x60, s23;
	v40 =	vld [tilespmem:s4+$0x0];
	v37 =	vadd.f32 $9.999999710e-10, v37;
	v25 =	vsub.f32 v25, v27;
	v35 =	vmul.f32 v38, v35  }
0x14d: {  	v31 =	vmax.f32 v31, $0.0e+00;
	v32 =	vmax.f32 v32, $0.0e+00;
	s24 =	sadd.s32 $0x60, s24;
	v34 =	vmul.f32 v34, v36;
	v38 =	vld [tilespmem:s23+$0x20]  }
0x14e: {  	s25 =	sadd.s32 $0x60, s25;
	v36 =	vld [tilespmem:s24+$0x20];
	v25 =	vadd.f32 $9.999999710e-10, v25;
	v23 =	vsub.f32 v23, v35;
	(erf) = vrcp.f32 v37  }
0x14f: {  	v29 =	vmax.f32 v29, $0.0e+00;
	v30 =	vmax.f32 v30, $0.0e+00;
	s26 =	sadd.s32 $0x60, s26;
	v31 =	vmul.f32 v32, v31;
	v37 =	vld [tilespmem:s25+$0x20]  }
0x150: {  	s29 =	sadd.s32 $0x60, s29;
	v18 =	vsub.f32 v18, v34;
	v32 =	vld [tilespmem:s26+$0x20];
	v23 =	vadd.f32 $9.999999710e-10, v23;
	(erf) = vrcp.f32 v25  }
0x151: {  	v29 =	vmul.f32 v30, v29;
	s5 =	sadd.s32 $0xFFFFFFD0, s29;
	v30 =	vadd.f32 v33, v16;
	v33 =	vor.u32 s29, v1;
	v25 =	vld [tilespmem:s4+$0xFFFFFFF0]  }
0x152: {  	s6 =	sadd.s32 $0xFFFFFFE0, s29;
	s7 =	sadd.s32 $0xFFFFFFF0, s29;
	v17 =	vsub.f32 v17, v31;
	v18 =	vadd.f32 $9.999999710e-10, v18;
	v41 =	vld [tilespmem:s23+$0x10];
	(erf) = vrcp.f32 v23  }
0x153: {  	v43 =	vor.u32 s5, v1;
	v44 =	vor.u32 s6, v1;
	v45 =	vor.u32 s7, v1;
	v42 =	vld [tilespmem:s24+$0x10]  }
0x154: {  	s5 =	sadd.s32 $0xFFFFFFB0, s29;
	s6 =	sadd.s32 $0xFFFFFFC0, s29;
	v50 =	vadd.f32 $9.999999710e-10, v17;
	v30 =	vsub.f32 v30, v29;
	v46 =	vld [tilespmem:s25+$0x10];
	(erf) = vrcp.f32 v18  }
0x155: {  	v48 =	vor.u32 s6, v1;
	v17 =	vadd.f32 v39, v16;
	v39 =	vor.u32 s5, v1;
	v47 =	vld [tilespmem:s26+$0x10]  }
0x156: {  	v30 =	vadd.f32 $9.999999710e-10, v30;
	v18 =	vadd.f32 v40, v16;
	v49 =	vld [tilespmem:s4+$0xFFFFFFE0];
	(erf) = vrcp.f32 v50  }
0x157: {  	v38 =	vmax.f32 v12, v38;
	v36 =	vmax.f32 v15, v36;
	v37 =	vmin.f32 v14, v37;
	v40 =	vld [tilespmem:s28+$0xFFFFFFF0];
	v23 =	vpop (erf)  }
0x158: {  	v32 =	vmin.f32 v13, v32;
	v28 =	vmul.f32 v23, v28;
	v50 =	vld [tilespmem:s28+$0xFFFFFFE0];
	(erf) = vrcp.f32 v30  }
0x159: {  	v41 =	vmax.f32 v12, v41;
	v23 =	vadd.f32 v25, v16;
	v42 =	vmax.f32 v15, v42;
	v30 =	vld [tilespmem:s23+$0x0];
	v25 =	vpop (erf)  }
0x15a: {  	v46 =	vmin.f32 v14, v46;
	v51 =	vld [tilespmem:s24+$0x0];
	vm5 =	vgt.f32 v28, $6.999999880e-01;
	v27 =	vmul.f32 v25, v27  }
0x15b: {  	v47 =	vmin.f32 v13, v47;
	v25 =	vadd.f32 v49, v16;
	v28 =	vld [tilespmem:s25+$0x0];
	v26 =	vsel vm5, $0xFF800000, v26;
	v49 =	vpop (erf)  }
0x15c: {  	v52 =	vld [tilespmem:s26+$0x0];
	[tilespmem:s28+$0xFFFFFFD0] =	vst v26;
	vm5 =	vgt.f32 v26, v20;
	vm6 =	vgt.f32 v27, $6.999999880e-01;
	v27 =	vmul.f32 v49, v35  }
0x15d: {  	v35 =	vld [tilespmem:s4+$0xFFFFFFD0];
	v20 =	vsel vm5, v26, v20;
	v21 =	vsel vm5, v39, v21;
	v26 =	vsel vm6, $0xFF800000, v50;
	v39 =	vpop (erf)  }
0x15e: {  	v49 =	vld [tilespmem:s23+$0xFFFFFFF0];
	[tilespmem:s28+$0xFFFFFFE0] =	vst v26;
	vm5 =	vgt.f32 v26, v20;
	vm6 =	vgt.f32 v27, $6.999999880e-01;
	v27 =	vmul.f32 v39, v34  }
0x15f: {  	v34 =	vld [tilespmem:s24+$0xFFFFFFF0];
	v20 =	vsel vm5, v26, v20;
	v21 =	vsel vm5, v48, v21;
	v48 =	vsel vm6, $0xFF800000, v40;
	v39 =	vpop (erf)  }
0x160: {  	v40 =	vld [tilespmem:s25+$0xFFFFFFF0];
	[tilespmem:s28+$0xFFFFFFF0] =	vst v48;
	vm5 =	vgt.f32 v48, v20;
	vm6 =	vgt.f32 v27, $6.999999880e-01;
	v27 =	vmul.f32 v39, v31  }
0x161: {  	v31 =	vld [tilespmem:s26+$0xFFFFFFF0];
	v20 =	vsel vm5, v48, v20;
	v21 =	vsel vm5, v43, v21;
	v24 =	vsel vm6, $0xFF800000, v24;
	v26 =	vpop (erf)  }
0x162: {  	v39 =	vld [tilespmem:s23+$0xFFFFFFE0];
	[tilespmem:s28+$0x0] =	vst v24;
	vm5 =	vgt.f32 v24, v20;
	vm6 =	vgt.f32 v27, $6.999999880e-01;
	v26 =	vmul.f32 v26, v29  }
0x163: {  	v27 =	vld [tilespmem:s24+$0xFFFFFFE0];
	v20 =	vsel vm5, v24, v20;
	v21 =	vsel vm5, v44, v21;
	v22 =	vsel vm6, $0xFF800000, v22  }
0x164: {  	v43 =	vmax.f32 v12, v30;
	v24 =	vld [tilespmem:s23+$0xFFFFFFD0];
	[tilespmem:s28+$0x10] =	vst v22;
	vm5 =	vgt.f32 v22, v20;
	vm6 =	vgt.f32 v26, $6.999999880e-01  }
0x165: {  	v26 =	vld [tilespmem:s24+$0xFFFFFFD0];
	v20 =	vsel vm5, v22, v20;
	v21 =	vsel vm5, v45, v21;
	v19 =	vsel vm6, $0xFF800000, v19  }
0x166: {  	v28 =	vmin.f32 v14, v28;
	v44 =	vmax.f32 v15, v51;
	v22 =	vld [tilespmem:s25+$0xFFFFFFD0];
	[tilespmem:s28+$0x20] =	vst v19;
	vm5 =	vgt.f32 v19, v20  }
0x167: {  	s0 =	sadd.s32 $0x6, s0;
	v48 =	vmin.f32 v13, v52;
	v45 =	vld [tilespmem:s26+$0xFFFFFFD0];
	v20 =	vsel vm5, v19, v20;
	v21 =	vsel vm5, v33, v21  }
0x168: {  	p1 =	slt.u32 s0, $0x7E;
	v33 =	vadd.f32 v35, v16;
	v35 =	vmax.f32 v12, v49;
	v49 =	vmax.f32 v15, v34;
	v19 =	vld [tilespmem:s25+$0xFFFFFFE0]  }
0x169: {  	v40 =	vmin.f32 v14, v40;
	v50 =	vmin.f32 v13, v31;
	v34 =	vmax.f32 v12, v39;
	v39 =	vld [tilespmem:s26+$0xFFFFFFE0]  }
0x16a: {  	v27 =	vmax.f32 v15, v27;
	v24 =	vmax.f32 v12, v24;
	v26 =	vmax.f32 v15, v26  }
0x16b: {  	v30 =	vsub.f32 v32, v36;
	v29 =	vsub.f32 v37, v38;
	v22 =	vmin.f32 v14, v22  }
0x16c: {  	v32 =	vsub.f32 v47, v42;
	v31 =	vsub.f32 v46, v41;
	v36 =	vmin.f32 v13, v45  }
0x16d: {  	s28 =	sadd.s32 $0x60, s28;
	v22 =	vsub.f32 v22, v24;
	v24 =	vsub.f32 v36, v26;
	v19 =	vmin.f32 v14, v19  }
.Ltmp1:
0x16e: {  	v26 =	vmin.f32 v13, v39;
	v36 =	vsub.f32 v19, v34;
	v39 =	vsub.f32 v28, v43;
	v19 =	vld [tilespmem:s28+$0x20];
	(pc) =	sbr.rel @p1 .LBB2_5-.Ltmp1, $4  }
0x16f: {  	v28 =	vmax.f32 v22, $0.0e+00;
	v24 =	vmax.f32 v24, $0.0e+00;
	v27 =	vsub.f32 v26, v27;
	v22 =	vld [tilespmem:s28+$0x10]  }
0x170: {  	v35 =	vsub.f32 v40, v35;
	v34 =	vsub.f32 v48, v44;
	v28 =	vmul.f32 v24, v28;
	v24 =	vld [tilespmem:s28+$0x0]  }
0x171: {  	v38 =	vsub.f32 v50, v49;
	v36 =	vmax.f32 v36, $0.0e+00;
	v26 =	vld [tilespmem:s28+$0xFFFFFFD0];
	v27 =	vmax.f32 v27, $0.0e+00  }
0x172: {  	v37 =	vsub.f32 v33, v28;
	v27 =	vmul.f32 v27, v36;
	v36 =	vmax.f32 v39, $0.0e+00;
	v33 =	vld [tilespmem:s4+$0x20];
	s4 =	sadd.s32 $0x60, s4  }
0x173: {  	v12 =	vmax.f32 v35, $0.0e+00;
	v13 =	vmax.f32 v38, $0.0e+00;
	v14 =	vmax.f32 v34, $0.0e+00  }
0x174: {  	v15 =	vadd.f32 $9.999999710e-10, v37;
	v25 =	vsub.f32 v25, v27;
	v12 =	vmul.f32 v13, v12  }
0x175: {  	v45 =	vmax.f32 v32, $0.0e+00;
	v13 =	vmul.f32 v14, v36;
	v14 =	vmax.f32 v31, $0.0e+00  }
0x176: {  	v25 =	vadd.f32 $9.999999710e-10, v25;
	v23 =	vsub.f32 v23, v12;
	(erf) = vrcp.f32 v15  }
0x177: {  	v46 =	vmax.f32 v30, $0.0e+00;
	v14 =	vmul.f32 v45, v14;
	v15 =	vmax.f32 v29, $0.0e+00  }
0x178: {  	v18 =	vsub.f32 v18, v13;
	v23 =	vadd.f32 $9.999999710e-10, v23;
	(erf) = vrcp.f32 v25  }
0x179: {  	v15 =	vmul.f32 v46, v15;
	v16 =	vadd.f32 v33, v16  }
0x17a: {  	v17 =	vsub.f32 v17, v14;
	v18 =	vadd.f32 $9.999999710e-10, v18;
	(erf) = vrcp.f32 v23;
	_ =	sdelay $0x1  }
0x17b: {  	v17 =	vadd.f32 $9.999999710e-10, v17;
	v16 =	vsub.f32 v16, v15;
	(erf) = vrcp.f32 v18;
	_ =	sdelay $0x1  }
0x17c: {  	v16 =	vadd.f32 $9.999999710e-10, v16;
	(erf) = vrcp.f32 v17  }
0x17d: {  	v47 =	vpop (erf)  }
0x17e: {  	s0 =	sadd.s32 $0x60, s29;
	v48 =	vld [tilespmem:s28+$0xFFFFFFE0];
	(erf) = vrcp.f32 v16;
	v17 =	vmul.f32 v47, v28  }
0x17f: {  	s4 =	sadd.s32 $0xFFFFFFD0, s0;
	v49 =	vpop (erf)  }
0x180: {  	v51 =	vld [tilespmem:s28+$0xFFFFFFF0];
	s29 =	sadd.s32 $0xFFFFFFB0, s0;
	s5 =	sadd.s32 $0xFFFFFFC0, s0;
	v50 =	vor.u32 s4, v1;
	vm5 =	vgt.f32 v17, $6.999999880e-01;
	v16 =	vmul.f32 v49, v27  }
0x181: {  	v52 =	vor.u32 s29, v1;
	v53 =	vor.u32 s5, v1;
	v26 =	vsel vm5, $0xFF800000, v26;
	v54 =	vpop (erf)  }
0x182: {  	vm5 =	vgt.f32 v26, v20;
	vm6 =	vgt.f32 v16, $6.999999880e-01;
	v12 =	vmul.f32 v54, v12  }
0x183: {  	v56 =	vpop (erf);
	v55 =	vsel vm5, v26, v20;
	v17 =	vsel vm5, v52, v21;
	v18 =	vsel vm6, $0xFF800000, v48  }
0x184: {  	vm5 =	vgt.f32 v18, v55;
	vm6 =	vgt.f32 v12, $6.999999880e-01;
	v12 =	vmul.f32 v56, v13  }
0x185: {  	v59 =	vpop (erf);
	v13 =	vsel vm5, v18, v55;
	v57 =	vsel vm5, v53, v17;
	v58 =	vsel vm6, $0xFF800000, v51  }
0x186: {  	vm5 =	vgt.f32 v58, v13;
	vm6 =	vgt.f32 v12, $6.999999880e-01;
	v12 =	vmul.f32 v59, v14  }
0x187: {  	s22 =	sadd.s32 $0x1, s22;
	v61 =	vpop (erf);
	v13 =	vsel vm5, v58, v13;
	v14 =	vsel vm5, v50, v57;
	v60 =	vsel vm6, $0xFF800000, v24  }
0x188: {  	s30 =	sadd.s32 $0xFFFFFFE0, s0;
	p1 =	sne.s32 s22, $0x96;
	[tilespmem:s28+$0xFFFFFFD0] =	vst v26;
	vm5 =	vgt.f32 v60, v13;
	vm6 =	vgt.f32 v12, $6.999999880e-01;
	v12 =	vmul.f32 v61, v15  }
.Ltmp2:
0x189: {  	[tilespmem:s28+$0xFFFFFFE0] =	vst v18;
	v15 =	vor.u32 s30, v1;
	v13 =	vsel vm5, v60, v13;
	v62 =	vsel vm6, $0xFF800000, v22;
	(pc) =	sbr.rel @p1 .LBB2_4-.Ltmp2, $4  }
0x18a: {  	s31 =	sadd.s32 $0xFFFFFFF0, s0;
	[tilespmem:s28+$0xFFFFFFF0] =	vst v58;
	v14 =	vsel vm5, v15, v14;
	vm5 =	vgt.f32 v62, v13;
	vm6 =	vgt.f32 v12, $6.999999880e-01  }
0x18b: {  	[tilespmem:s28+$0x0] =	vst v60;
	v12 =	vor.u32 s31, v1;
	v13 =	vsel vm5, v62, v13;
	v15 =	vsel vm6, $0xFF800000, v19  }
0x18c: {  	v63 =	vor.u32 s0, v1;
	[tilespmem:s28+$0x10] =	vst v62;
	v14 =	vsel vm5, v12, v14;
	vm5 =	vgt.f32 v15, v13  }
0x18d: {  	[tilespmem:s28+$0x20] =	vst v15;
	v12 =	vsel vm5, v15, v13;
	v13 =	vsel vm5, v63, v14  }
0x18e: {  	s0 =	simm.s32 @!p0 $0x0  }
0x18f: {  	s4 =	simm.s32 @!p0 $0x3400;
	s5 =	rddreg [dreg:$0x8];
	s21 =	sadd.s32 $0x1, s21  }
0x190: {  	[hbm4b:s5+s0] =	stream.linear.scatter @!p0 [tilespmem:s4], [sflag:$0x1], $0x300, $0x38;
	[tilespmem:$0x3800] =	vst v63  }
0x191: {  	p1 =	sne.s32 s21, s11  }
.Ltmp3:
0x192: {  	_ = 	snop;
	(pc) =	sbr.rel @p1 .LBB2_1-.Ltmp3, $4  }
0x193: {  	s0 =	simm.s32 @!p0 $0x1  }
0x194: {  	_ =	swait.ge @!p0 [sflag:s0], $0x300  }
0x195: {  	[sflag:s0] =	ssyncset.done @!p0 $0x0  }
0x196: {  	[sflag:s0] =	ssyncadd.s32 @!p0 $0xFFFFFD00  }
0x197: {  	_ =	sfence.sel $0x180000  }
0x198: {  	[bflag:$0x0] =	sbarrier.arrive $0xFFFF  }
0x199: {  	_ =	strace $0x90000047  }
0x19a: {  	[bflag:$0x2] =	sbarrier.arrive $0xFFFF  }
0x19b: {  	p0 =	sne.s32 s1, $0x0;
	s0 =	rddreg [dreg:$0x2]  }
0x19c: {  	s0 =	sadd.s32 @!p0 $0x100000, s0  }
0x19d: {  	[sflag:s0] =	ssyncadd.tile.s32 @!p0 $0x1;
	_ =	shalt  }
.Lfunc_end2:
_tile_overlayer_lowered:
.L_overlay_start_2:
0x19e: {  	(tag) =	ssettag $0x2  }
0x19f: {  	s0 =	rddreg [dreg:$0x0];
	s2 =	stileid.u32  }
0x1a0: {  	s1 =	rddreg [dreg:$0x1];
	p0 =	sne.s32 s2, $0x0  }
0x1a1: {  	s3 =	rddreg [dreg:$0x2];
	[bflag:$0x3] =	sbarrier.arrive $0xFFFF;
	s2 =	simm.s32 @!p0 $0x1C01  }
0x1a2: {  	[timem:s3], [sflag:s2] =	dma.local @!p0 [hbm:s0], s1  }
0x1a3: {  	s0 =	simm.s32 @!p0 $0x1  }
0x1a4: {  	_ =	swait.ge @!p0 [sflag:s0], s1  }
0x1a5: {  	s1 =	ssub.s32 @!p0 $0x0, s1;
	[sflag:s0] =	ssyncset.done @!p0 $0x0  }
0x1a6: {  	[sflag:s0] =	ssyncadd.s32 @!p0 s1  }
0x1a7: {  	[bflag:$0x3] =	sbarrier.arrive $0xFFFF  }
0x1a8: {  	_ =	shalt  }

</sc_bundles>
